<compile_context>
chip_gen: v7x
topology: tpu7x:2x2x1
jax: 0.10.2.dev20260603
libtpu: 0.0.44.dev20260713+nightly
codegen_flags: <defaults>
</compile_context>

<pallas_src>
import jax
import jax.numpy as jnp
from jax import lax
from jax.experimental import pallas as pl
from jax.experimental.pallas import tpu as pltpu
from jax.experimental.pallas import tpu_sc as plsc

B = 512
G = 978
N = B * G
E = N * 16
N_TILES = 16
E_PER_TILE = E // N_TILES
CHUNK = 20864
N_CHUNKS = E_PER_TILE // CHUNK
N_PER_TILE = N // N_TILES
STAGE = N_PER_TILE // 2


def _sc_segment_sum(x1, x2, edges_r):
    mesh = plsc.VectorSubcoreMesh(core_axis_name="c", subcore_axis_name="s")

    def body(x1_hbm, x2_hbm, edges_hbm, out_hbm,
             xsh, aggsh, srcb, dstb, valb, sem_s, sem_d):
        c = lax.axis_index("c")
        s = lax.axis_index("s")
        n0 = s * N_PER_TILE

        HALF = STAGE // 2
        slots = [valb.at[pl.ds(0, HALF)], valb.at[pl.ds(HALF, HALF)]]
        sems = [sem_s, sem_d]
        zvec = jnp.zeros((16,), jnp.float32)

        def zfill(j, carry):
            valb[pl.ds(j * 16, 16)] = zvec
            return carry

        lax.fori_loop(0, HALF // 16, zfill, 0)
        for k in range(4):
            pltpu.async_copy(slots[0], aggsh.at[pl.ds(n0 + k * HALF, HALF)],
                             sem_s)
        for k in range(4):
            pltpu.make_async_copy(slots[0], aggsh.at[pl.ds(n0, HALF)],
                                  sem_s).wait()

        def hbm_to_spmem(dst_sh):
            for k in range(4):
                p0 = n0 + k * HALF
                slot, sem = slots[k % 2], sems[k % 2]
                if k >= 2:
                    pltpu.make_async_copy(
                        slot, dst_sh.at[pl.ds(n0 + (k - 2) * HALF, HALF)],
                        sem).wait()

                @pl.when(c == 0)
                def _():
                    pltpu.async_copy(x1_hbm.at[pl.ds(p0, HALF)], slot,
                                     sem).wait()

                @pl.when(c != 0)
                def _():
                    pltpu.async_copy(x2_hbm.at[pl.ds(p0, HALF)], slot,
                                     sem).wait()

                pltpu.async_copy(slot, dst_sh.at[pl.ds(p0, HALF)], sem)
            for k in range(2, 4):
                pltpu.make_async_copy(
                    slots[k % 2], dst_sh.at[pl.ds(n0 + k * HALF, HALF)],
                    sems[k % 2]).wait()

        hbm_to_spmem(xsh)
        plsc.subcore_barrier()

        tile_e0 = s * E_PER_TILE

        pltpu.async_copy(edges_hbm.at[0, pl.ds(tile_e0, CHUNK)], srcb, sem_s)

        def chunk(i, carry):
            e0 = tile_e0 + i * CHUNK
            pltpu.async_copy(edges_hbm.at[1, pl.ds(e0, CHUNK)], dstb, sem_d)
            pltpu.make_async_copy(edges_hbm.at[0, pl.ds(e0, CHUNK)], srcb,
                                  sem_s).wait()
            pltpu.sync_copy(xsh.at[srcb], valb)

            @pl.when(i < N_CHUNKS - 1)
            def _():
                pltpu.async_copy(edges_hbm.at[0, pl.ds(e0 + CHUNK, CHUNK)],
                                 srcb, sem_s)

            pltpu.make_async_copy(edges_hbm.at[1, pl.ds(e0, CHUNK)], dstb,
                                  sem_d).wait()
            pltpu.sync_copy(valb, aggsh.at[dstb], add=True)
            return carry

        lax.fori_loop(0, N_CHUNKS, chunk, 0)
        plsc.subcore_barrier()
        for k in range(4):
            p0 = n0 + k * HALF
            slot, sem = slots[k % 2], sems[k % 2]
            if k >= 2:
                pltpu.make_async_copy(
                    slot,
                    out_hbm.at[pl.ds(c * N + n0 + (k - 2) * HALF, HALF)],
                    sem).wait()
            pltpu.async_copy(aggsh.at[pl.ds(p0, HALF)], slot, sem).wait()
            pltpu.async_copy(slot, out_hbm.at[pl.ds(c * N + p0, HALF)], sem)
        for k in range(2, 4):
            pltpu.make_async_copy(
                slots[k % 2],
                out_hbm.at[pl.ds(c * N + n0 + k * HALF, HALF)],
                sems[k % 2]).wait()

    f = pl.kernel(
        body,
        out_type=jax.ShapeDtypeStruct((2 * N,), jnp.float32),
        mesh=mesh,
        scratch_types=[
            pltpu.VMEM_SHARED((N,), jnp.float32),
            pltpu.VMEM_SHARED((N,), jnp.float32),
            pltpu.VMEM((CHUNK,), jnp.int32),
            pltpu.VMEM((CHUNK,), jnp.int32),
            pltpu.VMEM((CHUNK,), jnp.float32),
            pltpu.SemaphoreType.DMA,
            pltpu.SemaphoreType.DMA,
        ],
    )
    return f(x1, x2, edges_r)


def _tc_head(agg, others, gcn_w, gcn_b, fc1_w, fc1_b, fc2_w, fc2_b,
             mlp1_w, mlp1_b, mlp2_w, mlp2_b, interpret=False):
    def body(agg_ref, oth_ref, gw_ref, gb_ref, w1_ref, b1_ref, w2_ref, b2_ref,
             m1w_ref, m1b_ref, m2w_ref, m2b_ref, out_ref):
        gw = gw_ref[...]
        gb = gb_ref[...]

        def enc(a):
            h = jnp.maximum(a * gw + gb, 0.0)
            h = lax.dot_general(h, w1_ref[...], (((1,), (1,)), ((), ())),
                                preferred_element_type=jnp.float32)
            h = jnp.maximum(h + b1_ref[...], 0.0)
            o = lax.dot_general(h, w2_ref[...], (((1,), (1,)), ((), ())),
                                preferred_element_type=jnp.float32)
            return o + b2_ref[...]

        o1 = enc(agg_ref[0])
        o2 = enc(agg_ref[1])
        p1 = o1 - jnp.mean(o1, axis=1, keepdims=True)
        p2 = o2 - jnp.mean(o2, axis=1, keepdims=True)
        n1 = jnp.sum(p1 * p1, axis=1, keepdims=True)
        n2 = jnp.sum(p2 * p2, axis=1, keepdims=True)
        p12 = jnp.sum(p1 * p2, axis=1, keepdims=True)
        r = p12 / jnp.sqrt(n1 * n2)
        r2 = r * r
        cat = jnp.concatenate([r2, oth_ref[...]], axis=1)
        z = lax.dot_general(cat, m1w_ref[...], (((1,), (1,)), ((), ())),
                            preferred_element_type=jnp.float32)
        z = jnp.maximum(z + m1b_ref[...], 0.0)
        out = lax.dot_general(z, m2w_ref[...], (((1,), (1,)), ((), ())),
                              preferred_element_type=jnp.float32)
        out_ref[...] = out + m2b_ref[...]

    return pl.pallas_call(
        body,
        out_shape=jax.ShapeDtypeStruct((B, 2), jnp.float32),
        interpret=interpret,
    )(agg, others, gcn_w, gcn_b, fc1_w, fc1_b, fc2_w, fc2_b,
      mlp1_w, mlp1_b, mlp2_w, mlp2_b)


def kernel(input1, input2, edges, input_others, gcn_w, gcn_b,
           fc1_w, fc1_b, fc2_w, fc2_b, mlp1_w, mlp1_b, mlp2_w, mlp2_b):
    x1 = input1.reshape(-1)
    x2 = input2.reshape(-1)
    agg = _sc_segment_sum(x1, x2, edges)
    return _tc_head(agg.reshape(2, B, G), input_others,
                    gcn_w, gcn_b.reshape(1, 1),
                    fc1_w, fc1_b.reshape(1, -1),
                    fc2_w, fc2_b.reshape(1, -1),
                    mlp1_w, mlp1_b.reshape(1, -1),
                    mlp2_w, mlp2_b.reshape(1, -1))

# --- scband reference (transcript-rebuilt; emitter-appended) ---
"""Pipeline reference for scband-ssgcn-22591527977030 (READ-ONLY COPY).

The authoritative reference and input builder live on the scoring server;
editing this copy changes nothing except your own understanding.
"""

import jax, jax.numpy as jnp
import numpy as np

B = 512
G = 978
N = B * G
E = N * 16

def setup_inputs(seed: int = 0) -> dict:
    key = jax.random.key(seed)
    ks = jax.random.split(key, 16)
    inp = {}
    inp['input1'] = jax.random.normal(ks[0], (B, G), dtype=jnp.float32)
    inp['input2'] = jax.random.normal(ks[1], (B, G), dtype=jnp.float32)
    inp['edges'] = jax.random.randint(ks[2], (2, E), 0, N, dtype=jnp.int32)
    inp['input_others'] = jax.random.normal(ks[3], (B, 4), dtype=jnp.float32)
    # learned parameters (torch Linear convention: W is [out, in], y = x @ W.T + b)
    inp['gcn_w'] = jax.random.normal(ks[4], (1, 1), dtype=jnp.float32)
    inp['gcn_b'] = jnp.zeros((1,), dtype=jnp.float32)
    inp['fc1_w'] = jax.random.normal(ks[5], (2048, 978), dtype=jnp.float32) * 0.02
    inp['fc1_b'] = jnp.zeros((2048,), dtype=jnp.float32)
    inp['fc2_w'] = jax.random.normal(ks[6], (100, 2048), dtype=jnp.float32) * 0.02
    inp['fc2_b'] = jnp.zeros((100,), dtype=jnp.float32)
    inp['mlp1_w'] = jax.random.normal(ks[7], (4, 5), dtype=jnp.float32) * 0.1
    inp['mlp1_b'] = jnp.zeros((4,), dtype=jnp.float32)
    inp['mlp2_w'] = jax.random.normal(ks[8], (2, 4), dtype=jnp.float32) * 0.1
    inp['mlp2_b'] = jnp.zeros((2,), dtype=jnp.float32)
    return inp

def reference(input1, input2, edges, input_others, gcn_w, gcn_b, fc1_w, fc1_b, fc2_w, fc2_b, mlp1_w, mlp1_b, mlp2_w, mlp2_b):
    src = edges[0]
    dst = edges[1]

    def encoder(x):
        # reshape to node features [N, 1]
        h = x.reshape(-1, 1)
        # GCNConv(1,1, add_self_loops=False, normalize=False): linear then scatter-add src->dst
        h = h @ gcn_w.T
        msg = jnp.take(h, src, axis=0)              # gather over edges
        agg = jax.ops.segment_sum(msg, dst, num_segments=N)  # scatter-add to dst nodes
        agg = agg + gcn_b
        out = agg.reshape(-1, 978)
        out = jax.nn.relu(out)
        # dropout is identity in eval mode
        out = jax.nn.relu(out @ fc1_w.T + fc1_b)
        out = out @ fc2_w.T + fc2_b
        return out

    o1 = encoder(input1)
    o2 = encoder(input2)

    # predictor.get_r2
    p1 = o1 - jnp.mean(o1, axis=1, keepdims=True)
    p2 = o2 - jnp.mean(o2, axis=1, keepdims=True)
    n1 = jnp.sqrt(jnp.sum(p1 * p1, axis=1))
    n2 = jnp.sqrt(jnp.sum(p2 * p2, axis=1))
    p12 = jnp.sum(p1 * p2, axis=1)
    r2 = jnp.expand_dims((p12 / (n1 * n2)) ** 2, axis=1)

    cat = jnp.concatenate([r2, input_others], axis=1)
    out = jax.nn.relu(cat @ mlp1_w.T + mlp1_b)
    out = out @ mlp2_w.T + mlp2_b
    return out

if __name__ == "__main__":
    import jax
    _d = setup_inputs()
    print(jax.jit(kernel)(*tuple(_d.values())))

</pallas_src>

<mosaic_0001>
#map = affine_map<(d0, d1) -> (0)>
#map1 = affine_map<(d0, d1) -> (0, 0)>
module attributes {stable_mosaic.version = 14 : i64} {
  func.func @body(%arg0: i32, %arg1: i32, %arg2: memref<500736xf32, #tpu.memory_space<hbm>>, %arg3: memref<500736xf32, #tpu.memory_space<hbm>>, %arg4: memref<2x8011776xi32, #tpu.memory_space<hbm>>, %arg5: memref<1001472xf32, #tpu.memory_space<hbm>>, %arg6: memref<500736xf32, #tpu.memory_space<vmem_shared>>, %arg7: memref<500736xf32, #tpu.memory_space<vmem_shared>>, %arg8: memref<20864xi32, #tpu.memory_space<vmem>>, %arg9: memref<20864xi32, #tpu.memory_space<vmem>>, %arg10: memref<20864xf32, #tpu.memory_space<vmem>>, %arg11: memref<!tpu.dma_semaphore, #tpu.memory_space<semaphore_mem>>, %arg12: memref<!tpu.dma_semaphore, #tpu.memory_space<semaphore_mem>>) attributes {dimension_semantics = [#tpu.dimension_semantics<core_parallel>, #tpu.dimension_semantics<subcore_parallel>], iteration_bounds = array<i64: 2, 16>, scalar_prefetch = 0 : i64, scratch_operands = 7 : i64, tpu.core_type = #tpu.core_type<sc_vector_subcore>, window_params = [{transform_indices = #map}, {transform_indices = #map}, {transform_indices = #map1}, {transform_indices = #map}]} {
    %mul3A = arith.constant 31296 : i32
    %mul3A_0 = arith.muli %arg1, %mul3A : i32
    %broadcast_in_dim3A = arith.constant 0.000000e+00 : f32
    %broadcast_in_dim3A_1 = vector.broadcast %broadcast_in_dim3A : f32 to vector<16xf32>
    %scan3A = arith.constant 0 : i32
    %scan3A_2 = arith.constant 0 : i32
    %scan3A_3 = arith.constant 489 : i32
    %scan3A_4 = arith.addi %scan3A_2, %scan3A_3 : i32
    %scan3A_5 = arith.constant 1 : i32
    scf.for %scan3A_310 = %scan3A_2 to %scan3A_4 step %scan3A_5  : i32 {
      %mul3A_311 = arith.constant 16 : i32
      %mul3A_312 = arith.muli %scan3A_310, %mul3A_311 : i32
      %swap3A = arith.index_cast %mul3A_312 : i32 to index
      %swap3A_313 = tpu.vector_load %arg10[%swap3A] {strides = array<i32>} : memref<20864xf32, #tpu.memory_space<vmem>>, vector<16xf32>,
      %swap3A_314 = vector.shape_cast %swap3A_313 : vector<16xf32> to vector<16xf32>
      %swap3A_315 = vector.shape_cast %broadcast_in_dim3A_1 : vector<16xf32> to vector<16xf32>
      tpu.vector_store %arg10[%swap3A], %swap3A_315 {strides = array<i32>} : memref<20864xf32, #tpu.memory_space<vmem>>, vector<16xf32>,
    }
    %scan3A_6 = arith.constant 489 : i32
    %add3A = arith.constant 0 : i32
    %add3A_7 = arith.addi %mul3A_0, %add3A : i32
    %dma_start3A = arith.constant 0 : i32
    %dma_start3A_8 = tpu.memref_slice %arg10[%dma_start3A] : memref<20864xf32, #tpu.memory_space<vmem>> -> memref<7824xf32, #tpu.memory_space<vmem>>
    %dma_start3A_9 = tpu.memref_slice %arg7[%add3A_7] : memref<500736xf32, #tpu.memory_space<vmem_shared>> -> memref<7824xf32, #tpu.memory_space<vmem_shared>>
    %dma_start3A_10 = tpu.memref_slice %arg7[%add3A_7] : memref<500736xf32, #tpu.memory_space<vmem_shared>> -> memref<7824xf32, #tpu.memory_space<vmem_shared>>
    %dma_start3A_11 = arith.constant 0 : i32
    %dma_start3A_12 = tpu.memref_slice %arg10[%dma_start3A_11] : memref<20864xf32, #tpu.memory_space<vmem>> -> memref<7824xf32, #tpu.memory_space<vmem>>
    tpu.enqueue_dma source(%dma_start3A_12 : memref<7824xf32, #tpu.memory_space<vmem>>) target(%dma_start3A_10 : memref<7824xf32, #tpu.memory_space<vmem_shared>>) target_semaphore(%arg11 : memref<!tpu.dma_semaphore, #tpu.memory_space<semaphore_mem>>)
    %add3A_13 = arith.constant 7824 : i32
    %add3A_14 = arith.addi %mul3A_0, %add3A_13 : i32
    %dma_start3A_15 = arith.constant 0 : i32
    %dma_start3A_16 = tpu.memref_slice %arg10[%dma_start3A_15] : memref<20864xf32, #tpu.memory_space<vmem>> -> memref<7824xf32, #tpu.memory_space<vmem>>
    %dma_start3A_17 = tpu.memref_slice %arg7[%add3A_14] : memref<500736xf32, #tpu.memory_space<vmem_shared>> -> memref<7824xf32, #tpu.memory_space<vmem_shared>>
    %dma_start3A_18 = tpu.memref_slice %arg7[%add3A_14] : memref<500736xf32, #tpu.memory_space<vmem_shared>> -> memref<7824xf32, #tpu.memory_space<vmem_shared>>
    %dma_start3A_19 = arith.constant 0 : i32
    %dma_start3A_20 = tpu.memref_slice %arg10[%dma_start3A_19] : memref<20864xf32, #tpu.memory_space<vmem>> -> memref<7824xf32, #tpu.memory_space<vmem>>
    tpu.enqueue_dma source(%dma_start3A_20 : memref<7824xf32, #tpu.memory_space<vmem>>) target(%dma_start3A_18 : memref<7824xf32, #tpu.memory_space<vmem_shared>>) target_semaphore(%arg11 : memref<!tpu.dma_semaphore, #tpu.memory_space<semaphore_mem>>)
    %add3A_21 = arith.constant 15648 : i32
    %add3A_22 = arith.addi %mul3A_0, %add3A_21 : i32
    %dma_start3A_23 = arith.constant 0 : i32
    %dma_start3A_24 = tpu.memref_slice %arg10[%dma_start3A_23] : memref<20864xf32, #tpu.memory_space<vmem>> -> memref<7824xf32, #tpu.memory_space<vmem>>
    %dma_start3A_25 = tpu.memref_slice %arg7[%add3A_22] : memref<500736xf32, #tpu.memory_space<vmem_shared>> -> memref<7824xf32, #tpu.memory_space<vmem_shared>>
    %dma_start3A_26 = tpu.memref_slice %arg7[%add3A_22] : memref<500736xf32, #tpu.memory_space<vmem_shared>> -> memref<7824xf32, #tpu.memory_space<vmem_shared>>
    %dma_start3A_27 = arith.constant 0 : i32
    %dma_start3A_28 = tpu.memref_slice %arg10[%dma_start3A_27] : memref<20864xf32, #tpu.memory_space<vmem>> -> memref<7824xf32, #tpu.memory_space<vmem>>
    tpu.enqueue_dma source(%dma_start3A_28 : memref<7824xf32, #tpu.memory_space<vmem>>) target(%dma_start3A_26 : memref<7824xf32, #tpu.memory_space<vmem_shared>>) target_semaphore(%arg11 : memref<!tpu.dma_semaphore, #tpu.memory_space<semaphore_mem>>)
    %add3A_29 = arith.constant 23472 : i32
    %add3A_30 = arith.addi %mul3A_0, %add3A_29 : i32
    %dma_start3A_31 = arith.constant 0 : i32
    %dma_start3A_32 = tpu.memref_slice %arg10[%dma_start3A_31] : memref<20864xf32, #tpu.memory_space<vmem>> -> memref<7824xf32, #tpu.memory_space<vmem>>
    %dma_start3A_33 = tpu.memref_slice %arg7[%add3A_30] : memref<500736xf32, #tpu.memory_space<vmem_shared>> -> memref<7824xf32, #tpu.memory_space<vmem_shared>>
    %dma_start3A_34 = tpu.memref_slice %arg7[%add3A_30] : memref<500736xf32, #tpu.memory_space<vmem_shared>> -> memref<7824xf32, #tpu.memory_space<vmem_shared>>
    %dma_start3A_35 = arith.constant 0 : i32
    %dma_start3A_36 = tpu.memref_slice %arg10[%dma_start3A_35] : memref<20864xf32, #tpu.memory_space<vmem>> -> memref<7824xf32, #tpu.memory_space<vmem>>
    tpu.enqueue_dma source(%dma_start3A_36 : memref<7824xf32, #tpu.memory_space<vmem>>) target(%dma_start3A_34 : memref<7824xf32, #tpu.memory_space<vmem_shared>>) target_semaphore(%arg11 : memref<!tpu.dma_semaphore, #tpu.memory_space<semaphore_mem>>)
    %dma_wait3A = arith.constant 0 : i32
    %dma_wait3A_37 = tpu.memref_slice %arg10[%dma_wait3A] : memref<20864xf32, #tpu.memory_space<vmem>> -> memref<7824xf32, #tpu.memory_space<vmem>>
    %dma_wait3A_38 = tpu.memref_slice %arg7[%mul3A_0] : memref<500736xf32, #tpu.memory_space<vmem_shared>> -> memref<7824xf32, #tpu.memory_space<vmem_shared>>
    %dma_wait3A_39 = tpu.memref_slice %arg7[%mul3A_0] : memref<500736xf32, #tpu.memory_space<vmem_shared>> -> memref<7824xf32, #tpu.memory_space<vmem_shared>>
    %dma_wait3A_40 = arith.constant 0 : i32
    %dma_wait3A_41 = tpu.memref_slice %arg10[%dma_wait3A_40] : memref<20864xf32, #tpu.memory_space<vmem>> -> memref<7824xf32, #tpu.memory_space<vmem>>
    tpu.wait_dma2 semaphore(%arg11 : memref<!tpu.dma_semaphore, #tpu.memory_space<semaphore_mem>>) src(%dma_wait3A_41 : memref<7824xf32, #tpu.memory_space<vmem>>) dst(%dma_wait3A_39 : memref<7824xf32, #tpu.memory_space<vmem_shared>>)
    %dma_wait3A_42 = arith.constant 0 : i32
    %dma_wait3A_43 = tpu.memref_slice %arg10[%dma_wait3A_42] : memref<20864xf32, #tpu.memory_space<vmem>> -> memref<7824xf32, #tpu.memory_space<vmem>>
    %dma_wait3A_44 = tpu.memref_slice %arg7[%mul3A_0] : memref<500736xf32, #tpu.memory_space<vmem_shared>> -> memref<7824xf32, #tpu.memory_space<vmem_shared>>
    %dma_wait3A_45 = tpu.memref_slice %arg7[%mul3A_0] : memref<500736xf32, #tpu.memory_space<vmem_shared>> -> memref<7824xf32, #tpu.memory_space<vmem_shared>>
    %dma_wait3A_46 = arith.constant 0 : i32
    %dma_wait3A_47 = tpu.memref_slice %arg10[%dma_wait3A_46] : memref<20864xf32, #tpu.memory_space<vmem>> -> memref<7824xf32, #tpu.memory_space<vmem>>
    tpu.wait_dma2 semaphore(%arg11 : memref<!tpu.dma_semaphore, #tpu.memory_space<semaphore_mem>>) src(%dma_wait3A_47 : memref<7824xf32, #tpu.memory_space<vmem>>) dst(%dma_wait3A_45 : memref<7824xf32, #tpu.memory_space<vmem_shared>>)
    %dma_wait3A_48 = arith.constant 0 : i32
    %dma_wait3A_49 = tpu.memref_slice %arg10[%dma_wait3A_48] : memref<20864xf32, #tpu.memory_space<vmem>> -> memref<7824xf32, #tpu.memory_space<vmem>>
    %dma_wait3A_50 = tpu.memref_slice %arg7[%mul3A_0] : memref<500736xf32, #tpu.memory_space<vmem_shared>> -> memref<7824xf32, #tpu.memory_space<vmem_shared>>
    %dma_wait3A_51 = tpu.memref_slice %arg7[%mul3A_0] : memref<500736xf32, #tpu.memory_space<vmem_shared>> -> memref<7824xf32, #tpu.memory_space<vmem_shared>>
    %dma_wait3A_52 = arith.constant 0 : i32
    %dma_wait3A_53 = tpu.memref_slice %arg10[%dma_wait3A_52] : memref<20864xf32, #tpu.memory_space<vmem>> -> memref<7824xf32, #tpu.memory_space<vmem>>
    tpu.wait_dma2 semaphore(%arg11 : memref<!tpu.dma_semaphore, #tpu.memory_space<semaphore_mem>>) src(%dma_wait3A_53 : memref<7824xf32, #tpu.memory_space<vmem>>) dst(%dma_wait3A_51 : memref<7824xf32, #tpu.memory_space<vmem_shared>>)
    %dma_wait3A_54 = arith.constant 0 : i32
    %dma_wait3A_55 = tpu.memref_slice %arg10[%dma_wait3A_54] : memref<20864xf32, #tpu.memory_space<vmem>> -> memref<7824xf32, #tpu.memory_space<vmem>>
    %dma_wait3A_56 = tpu.memref_slice %arg7[%mul3A_0] : memref<500736xf32, #tpu.memory_space<vmem_shared>> -> memref<7824xf32, #tpu.memory_space<vmem_shared>>
    %dma_wait3A_57 = tpu.memref_slice %arg7[%mul3A_0] : memref<500736xf32, #tpu.memory_space<vmem_shared>> -> memref<7824xf32, #tpu.memory_space<vmem_shared>>
    %dma_wait3A_58 = arith.constant 0 : i32
    %dma_wait3A_59 = tpu.memref_slice %arg10[%dma_wait3A_58] : memref<20864xf32, #tpu.memory_space<vmem>> -> memref<7824xf32, #tpu.memory_space<vmem>>
    tpu.wait_dma2 semaphore(%arg11 : memref<!tpu.dma_semaphore, #tpu.memory_space<semaphore_mem>>) src(%dma_wait3A_59 : memref<7824xf32, #tpu.memory_space<vmem>>) dst(%dma_wait3A_57 : memref<7824xf32, #tpu.memory_space<vmem_shared>>)
    %add3A_60 = arith.constant 0 : i32
    %add3A_61 = arith.addi %mul3A_0, %add3A_60 : i32
    %eq3A = arith.constant 0 : i32
    %eq3A_62 = arith.cmpi eq, %arg0, %eq3A : i32
    %convert_element_type3A = arith.extui %eq3A_62 : i1 to i32
    %cond3A = arith.constant 0 : i32
    %cond3A_63 = arith.cmpi ne, %convert_element_type3A, %cond3A : i32
    scf.if %cond3A_63 {
      %dma_start3A_310 = arith.constant 0 : i32
      %dma_start3A_311 = tpu.memref_slice %arg10[%dma_start3A_310] : memref<20864xf32, #tpu.memory_space<vmem>> -> memref<7824xf32, #tpu.memory_space<vmem>>
      %dma_start3A_312 = tpu.memref_slice %arg2[%add3A_61] : memref<500736xf32, #tpu.memory_space<hbm>> -> memref<7824xf32, #tpu.memory_space<hbm>>
      %dma_start3A_313 = arith.constant 0 : i32
      %dma_start3A_314 = tpu.memref_slice %arg10[%dma_start3A_313] : memref<20864xf32, #tpu.memory_space<vmem>> -> memref<7824xf32, #tpu.memory_space<vmem>>
      %dma_start3A_315 = tpu.memref_slice %arg2[%add3A_61] : memref<500736xf32, #tpu.memory_space<hbm>> -> memref<7824xf32, #tpu.memory_space<hbm>>
      tpu.enqueue_dma source(%dma_start3A_315 : memref<7824xf32, #tpu.memory_space<hbm>>) target(%dma_start3A_314 : memref<7824xf32, #tpu.memory_space<vmem>>) target_semaphore(%arg11 : memref<!tpu.dma_semaphore, #tpu.memory_space<semaphore_mem>>)
      %dma_wait3A_316 = arith.constant 0 : i32
      %dma_wait3A_317 = tpu.memref_slice %arg10[%dma_wait3A_316] : memref<20864xf32, #tpu.memory_space<vmem>> -> memref<7824xf32, #tpu.memory_space<vmem>>
      %dma_wait3A_318 = tpu.memref_slice %arg2[%add3A_61] : memref<500736xf32, #tpu.memory_space<hbm>> -> memref<7824xf32, #tpu.memory_space<hbm>>
      %dma_wait3A_319 = arith.constant 0 : i32
      %dma_wait3A_320 = tpu.memref_slice %arg10[%dma_wait3A_319] : memref<20864xf32, #tpu.memory_space<vmem>> -> memref<7824xf32, #tpu.memory_space<vmem>>
      %dma_wait3A_321 = tpu.memref_slice %arg2[%add3A_61] : memref<500736xf32, #tpu.memory_space<hbm>> -> memref<7824xf32, #tpu.memory_space<hbm>>
      tpu.wait_dma2 semaphore(%arg11 : memref<!tpu.dma_semaphore, #tpu.memory_space<semaphore_mem>>) src(%dma_wait3A_321 : memref<7824xf32, #tpu.memory_space<hbm>>) dst(%dma_wait3A_320 : memref<7824xf32, #tpu.memory_space<vmem>>)
    } else {
    }
    %ne3A = arith.constant 0 : i32
    %ne3A_64 = arith.cmpi ne, %arg0, %ne3A : i32
    %convert_element_type3A_65 = arith.extui %ne3A_64 : i1 to i32
    %cond3A_66 = arith.constant 0 : i32
    %cond3A_67 = arith.cmpi ne, %convert_element_type3A_65, %cond3A_66 : i32
    scf.if %cond3A_67 {
      %dma_start3A_310 = arith.constant 0 : i32
      %dma_start3A_311 = tpu.memref_slice %arg10[%dma_start3A_310] : memref<20864xf32, #tpu.memory_space<vmem>> -> memref<7824xf32, #tpu.memory_space<vmem>>
      %dma_start3A_312 = tpu.memref_slice %arg3[%add3A_61] : memref<500736xf32, #tpu.memory_space<hbm>> -> memref<7824xf32, #tpu.memory_space<hbm>>
      %dma_start3A_313 = arith.constant 0 : i32
      %dma_start3A_314 = tpu.memref_slice %arg10[%dma_start3A_313] : memref<20864xf32, #tpu.memory_space<vmem>> -> memref<7824xf32, #tpu.memory_space<vmem>>
      %dma_start3A_315 = tpu.memref_slice %arg3[%add3A_61] : memref<500736xf32, #tpu.memory_space<hbm>> -> memref<7824xf32, #tpu.memory_space<hbm>>
      tpu.enqueue_dma source(%dma_start3A_315 : memref<7824xf32, #tpu.memory_space<hbm>>) target(%dma_start3A_314 : memref<7824xf32, #tpu.memory_space<vmem>>) target_semaphore(%arg11 : memref<!tpu.dma_semaphore, #tpu.memory_space<semaphore_mem>>)
      %dma_wait3A_316 = arith.constant 0 : i32
      %dma_wait3A_317 = tpu.memref_slice %arg10[%dma_wait3A_316] : memref<20864xf32, #tpu.memory_space<vmem>> -> memref<7824xf32, #tpu.memory_space<vmem>>
      %dma_wait3A_318 = tpu.memref_slice %arg3[%add3A_61] : memref<500736xf32, #tpu.memory_space<hbm>> -> memref<7824xf32, #tpu.memory_space<hbm>>
      %dma_wait3A_319 = arith.constant 0 : i32
      %dma_wait3A_320 = tpu.memref_slice %arg10[%dma_wait3A_319] : memref<20864xf32, #tpu.memory_space<vmem>> -> memref<7824xf32, #tpu.memory_space<vmem>>
      %dma_wait3A_321 = tpu.memref_slice %arg3[%add3A_61] : memref<500736xf32, #tpu.memory_space<hbm>> -> memref<7824xf32, #tpu.memory_space<hbm>>
      tpu.wait_dma2 semaphore(%arg11 : memref<!tpu.dma_semaphore, #tpu.memory_space<semaphore_mem>>) src(%dma_wait3A_321 : memref<7824xf32, #tpu.memory_space<hbm>>) dst(%dma_wait3A_320 : memref<7824xf32, #tpu.memory_space<vmem>>)
    } else {
    }
    %dma_start3A_68 = arith.constant 0 : i32
    %dma_start3A_69 = tpu.memref_slice %arg10[%dma_start3A_68] : memref<20864xf32, #tpu.memory_space<vmem>> -> memref<7824xf32, #tpu.memory_space<vmem>>
    %dma_start3A_70 = tpu.memref_slice %arg6[%add3A_61] : memref<500736xf32, #tpu.memory_space<vmem_shared>> -> memref<7824xf32, #tpu.memory_space<vmem_shared>>
    %dma_start3A_71 = tpu.memref_slice %arg6[%add3A_61] : memref<500736xf32, #tpu.memory_space<vmem_shared>> -> memref<7824xf32, #tpu.memory_space<vmem_shared>>
    %dma_start3A_72 = arith.constant 0 : i32
    %dma_start3A_73 = tpu.memref_slice %arg10[%dma_start3A_72] : memref<20864xf32, #tpu.memory_space<vmem>> -> memref<7824xf32, #tpu.memory_space<vmem>>
    tpu.enqueue_dma source(%dma_start3A_73 : memref<7824xf32, #tpu.memory_space<vmem>>) target(%dma_start3A_71 : memref<7824xf32, #tpu.memory_space<vmem_shared>>) target_semaphore(%arg11 : memref<!tpu.dma_semaphore, #tpu.memory_space<semaphore_mem>>)
    %add3A_74 = arith.constant 7824 : i32
    %add3A_75 = arith.addi %mul3A_0, %add3A_74 : i32
    %eq3A_76 = arith.constant 0 : i32
    %eq3A_77 = arith.cmpi eq, %arg0, %eq3A_76 : i32
    %convert_element_type3A_78 = arith.extui %eq3A_77 : i1 to i32
    %cond3A_79 = arith.constant 0 : i32
    %cond3A_80 = arith.cmpi ne, %convert_element_type3A_78, %cond3A_79 : i32
    scf.if %cond3A_80 {
      %dma_start3A_310 = arith.constant 7824 : i32
      %dma_start3A_311 = tpu.memref_slice %arg10[%dma_start3A_310] : memref<20864xf32, #tpu.memory_space<vmem>> -> memref<7824xf32, #tpu.memory_space<vmem>>
      %dma_start3A_312 = tpu.memref_slice %arg2[%add3A_75] : memref<500736xf32, #tpu.memory_space<hbm>> -> memref<7824xf32, #tpu.memory_space<hbm>>
      %dma_start3A_313 = arith.constant 7824 : i32
      %dma_start3A_314 = tpu.memref_slice %arg10[%dma_start3A_313] : memref<20864xf32, #tpu.memory_space<vmem>> -> memref<7824xf32, #tpu.memory_space<vmem>>
      %dma_start3A_315 = tpu.memref_slice %arg2[%add3A_75] : memref<500736xf32, #tpu.memory_space<hbm>> -> memref<7824xf32, #tpu.memory_space<hbm>>
      tpu.enqueue_dma source(%dma_start3A_315 : memref<7824xf32, #tpu.memory_space<hbm>>) target(%dma_start3A_314 : memref<7824xf32, #tpu.memory_space<vmem>>) target_semaphore(%arg12 : memref<!tpu.dma_semaphore, #tpu.memory_space<semaphore_mem>>)
      %dma_wait3A_316 = arith.constant 7824 : i32
      %dma_wait3A_317 = tpu.memref_slice %arg10[%dma_wait3A_316] : memref<20864xf32, #tpu.memory_space<vmem>> -> memref<7824xf32, #tpu.memory_space<vmem>>
      %dma_wait3A_318 = tpu.memref_slice %arg2[%add3A_75] : memref<500736xf32, #tpu.memory_space<hbm>> -> memref<7824xf32, #tpu.memory_space<hbm>>
      %dma_wait3A_319 = arith.constant 7824 : i32
      %dma_wait3A_320 = tpu.memref_slice %arg10[%dma_wait3A_319] : memref<20864xf32, #tpu.memory_space<vmem>> -> memref<7824xf32, #tpu.memory_space<vmem>>
      %dma_wait3A_321 = tpu.memref_slice %arg2[%add3A_75] : memref<500736xf32, #tpu.memory_space<hbm>> -> memref<7824xf32, #tpu.memory_space<hbm>>
      tpu.wait_dma2 semaphore(%arg12 : memref<!tpu.dma_semaphore, #tpu.memory_space<semaphore_mem>>) src(%dma_wait3A_321 : memref<7824xf32, #tpu.memory_space<hbm>>) dst(%dma_wait3A_320 : memref<7824xf32, #tpu.memory_space<vmem>>)
    } else {
    }
    %ne3A_81 = arith.constant 0 : i32
    %ne3A_82 = arith.cmpi ne, %arg0, %ne3A_81 : i32
    %convert_element_type3A_83 = arith.extui %ne3A_82 : i1 to i32
    %cond3A_84 = arith.constant 0 : i32
    %cond3A_85 = arith.cmpi ne, %convert_element_type3A_83, %cond3A_84 : i32
    scf.if %cond3A_85 {
      %dma_start3A_310 = arith.constant 7824 : i32
      %dma_start3A_311 = tpu.memref_slice %arg10[%dma_start3A_310] : memref<20864xf32, #tpu.memory_space<vmem>> -> memref<7824xf32, #tpu.memory_space<vmem>>
      %dma_start3A_312 = tpu.memref_slice %arg3[%add3A_75] : memref<500736xf32, #tpu.memory_space<hbm>> -> memref<7824xf32, #tpu.memory_space<hbm>>
      %dma_start3A_313 = arith.constant 7824 : i32
      %dma_start3A_314 = tpu.memref_slice %arg10[%dma_start3A_313] : memref<20864xf32, #tpu.memory_space<vmem>> -> memref<7824xf32, #tpu.memory_space<vmem>>
      %dma_start3A_315 = tpu.memref_slice %arg3[%add3A_75] : memref<500736xf32, #tpu.memory_space<hbm>> -> memref<7824xf32, #tpu.memory_space<hbm>>
      tpu.enqueue_dma source(%dma_start3A_315 : memref<7824xf32, #tpu.memory_space<hbm>>) target(%dma_start3A_314 : memref<7824xf32, #tpu.memory_space<vmem>>) target_semaphore(%arg12 : memref<!tpu.dma_semaphore, #tpu.memory_space<semaphore_mem>>)
      %dma_wait3A_316 = arith.constant 7824 : i32
      %dma_wait3A_317 = tpu.memref_slice %arg10[%dma_wait3A_316] : memref<20864xf32, #tpu.memory_space<vmem>> -> memref<7824xf32, #tpu.memory_space<vmem>>
      %dma_wait3A_318 = tpu.memref_slice %arg3[%add3A_75] : memref<500736xf32, #tpu.memory_space<hbm>> -> memref<7824xf32, #tpu.memory_space<hbm>>
      %dma_wait3A_319 = arith.constant 7824 : i32
      %dma_wait3A_320 = tpu.memref_slice %arg10[%dma_wait3A_319] : memref<20864xf32, #tpu.memory_space<vmem>> -> memref<7824xf32, #tpu.memory_space<vmem>>
      %dma_wait3A_321 = tpu.memref_slice %arg3[%add3A_75] : memref<500736xf32, #tpu.memory_space<hbm>> -> memref<7824xf32, #tpu.memory_space<hbm>>
      tpu.wait_dma2 semaphore(%arg12 : memref<!tpu.dma_semaphore, #tpu.memory_space<semaphore_mem>>) src(%dma_wait3A_321 : memref<7824xf32, #tpu.memory_space<hbm>>) dst(%dma_wait3A_320 : memref<7824xf32, #tpu.memory_space<vmem>>)
    } else {
    }
    %dma_start3A_86 = arith.constant 7824 : i32
    %dma_start3A_87 = tpu.memref_slice %arg10[%dma_start3A_86] : memref<20864xf32, #tpu.memory_space<vmem>> -> memref<7824xf32, #tpu.memory_space<vmem>>
    %dma_start3A_88 = tpu.memref_slice %arg6[%add3A_75] : memref<500736xf32, #tpu.memory_space<vmem_shared>> -> memref<7824xf32, #tpu.memory_space<vmem_shared>>
    %dma_start3A_89 = tpu.memref_slice %arg6[%add3A_75] : memref<500736xf32, #tpu.memory_space<vmem_shared>> -> memref<7824xf32, #tpu.memory_space<vmem_shared>>
    %dma_start3A_90 = arith.constant 7824 : i32
    %dma_start3A_91 = tpu.memref_slice %arg10[%dma_start3A_90] : memref<20864xf32, #tpu.memory_space<vmem>> -> memref<7824xf32, #tpu.memory_space<vmem>>
    tpu.enqueue_dma source(%dma_start3A_91 : memref<7824xf32, #tpu.memory_space<vmem>>) target(%dma_start3A_89 : memref<7824xf32, #tpu.memory_space<vmem_shared>>) target_semaphore(%arg12 : memref<!tpu.dma_semaphore, #tpu.memory_space<semaphore_mem>>)
    %add3A_92 = arith.constant 15648 : i32
    %add3A_93 = arith.addi %mul3A_0, %add3A_92 : i32
    %add3A_94 = arith.constant 0 : i32
    %add3A_95 = arith.addi %mul3A_0, %add3A_94 : i32
    %dma_wait3A_96 = arith.constant 0 : i32
    %dma_wait3A_97 = tpu.memref_slice %arg10[%dma_wait3A_96] : memref<20864xf32, #tpu.memory_space<vmem>> -> memref<7824xf32, #tpu.memory_space<vmem>>
    %dma_wait3A_98 = tpu.memref_slice %arg6[%add3A_95] : memref<500736xf32, #tpu.memory_space<vmem_shared>> -> memref<7824xf32, #tpu.memory_space<vmem_shared>>
    %dma_wait3A_99 = tpu.memref_slice %arg6[%add3A_95] : memref<500736xf32, #tpu.memory_space<vmem_shared>> -> memref<7824xf32, #tpu.memory_space<vmem_shared>>
    %dma_wait3A_100 = arith.constant 0 : i32
    %dma_wait3A_101 = tpu.memref_slice %arg10[%dma_wait3A_100] : memref<20864xf32, #tpu.memory_space<vmem>> -> memref<7824xf32, #tpu.memory_space<vmem>>
    tpu.wait_dma2 semaphore(%arg11 : memref<!tpu.dma_semaphore, #tpu.memory_space<semaphore_mem>>) src(%dma_wait3A_101 : memref<7824xf32, #tpu.memory_space<vmem>>) dst(%dma_wait3A_99 : memref<7824xf32, #tpu.memory_space<vmem_shared>>)
    %eq3A_102 = arith.constant 0 : i32
    %eq3A_103 = arith.cmpi eq, %arg0, %eq3A_102 : i32
    %convert_element_type3A_104 = arith.extui %eq3A_103 : i1 to i32
    %cond3A_105 = arith.constant 0 : i32
    %cond3A_106 = arith.cmpi ne, %convert_element_type3A_104, %cond3A_105 : i32
    scf.if %cond3A_106 {
      %dma_start3A_310 = arith.constant 0 : i32
      %dma_start3A_311 = tpu.memref_slice %arg10[%dma_start3A_310] : memref<20864xf32, #tpu.memory_space<vmem>> -> memref<7824xf32, #tpu.memory_space<vmem>>
      %dma_start3A_312 = tpu.memref_slice %arg2[%add3A_93] : memref<500736xf32, #tpu.memory_space<hbm>> -> memref<7824xf32, #tpu.memory_space<hbm>>
      %dma_start3A_313 = arith.constant 0 : i32
      %dma_start3A_314 = tpu.memref_slice %arg10[%dma_start3A_313] : memref<20864xf32, #tpu.memory_space<vmem>> -> memref<7824xf32, #tpu.memory_space<vmem>>
      %dma_start3A_315 = tpu.memref_slice %arg2[%add3A_93] : memref<500736xf32, #tpu.memory_space<hbm>> -> memref<7824xf32, #tpu.memory_space<hbm>>
      tpu.enqueue_dma source(%dma_start3A_315 : memref<7824xf32, #tpu.memory_space<hbm>>) target(%dma_start3A_314 : memref<7824xf32, #tpu.memory_space<vmem>>) target_semaphore(%arg11 : memref<!tpu.dma_semaphore, #tpu.memory_space<semaphore_mem>>)
      %dma_wait3A_316 = arith.constant 0 : i32
      %dma_wait3A_317 = tpu.memref_slice %arg10[%dma_wait3A_316] : memref<20864xf32, #tpu.memory_space<vmem>> -> memref<7824xf32, #tpu.memory_space<vmem>>
      %dma_wait3A_318 = tpu.memref_slice %arg2[%add3A_93] : memref<500736xf32, #tpu.memory_space<hbm>> -> memref<7824xf32, #tpu.memory_space<hbm>>
      %dma_wait3A_319 = arith.constant 0 : i32
      %dma_wait3A_320 = tpu.memref_slice %arg10[%dma_wait3A_319] : memref<20864xf32, #tpu.memory_space<vmem>> -> memref<7824xf32, #tpu.memory_space<vmem>>
      %dma_wait3A_321 = tpu.memref_slice %arg2[%add3A_93] : memref<500736xf32, #tpu.memory_space<hbm>> -> memref<7824xf32, #tpu.memory_space<hbm>>
      tpu.wait_dma2 semaphore(%arg11 : memref<!tpu.dma_semaphore, #tpu.memory_space<semaphore_mem>>) src(%dma_wait3A_321 : memref<7824xf32, #tpu.memory_space<hbm>>) dst(%dma_wait3A_320 : memref<7824xf32, #tpu.memory_space<vmem>>)
    } else {
    }
    %ne3A_107 = arith.constant 0 : i32
    %ne3A_108 = arith.cmpi ne, %arg0, %ne3A_107 : i32
    %convert_element_type3A_109 = arith.extui %ne3A_108 : i1 to i32
    %cond3A_110 = arith.constant 0 : i32
    %cond3A_111 = arith.cmpi ne, %convert_element_type3A_109, %cond3A_110 : i32
    scf.if %cond3A_111 {
      %dma_start3A_310 = arith.constant 0 : i32
      %dma_start3A_311 = tpu.memref_slice %arg10[%dma_start3A_310] : memref<20864xf32, #tpu.memory_space<vmem>> -> memref<7824xf32, #tpu.memory_space<vmem>>
      %dma_start3A_312 = tpu.memref_slice %arg3[%add3A_93] : memref<500736xf32, #tpu.memory_space<hbm>> -> memref<7824xf32, #tpu.memory_space<hbm>>
      %dma_start3A_313 = arith.constant 0 : i32
      %dma_start3A_314 = tpu.memref_slice %arg10[%dma_start3A_313] : memref<20864xf32, #tpu.memory_space<vmem>> -> memref<7824xf32, #tpu.memory_space<vmem>>
      %dma_start3A_315 = tpu.memref_slice %arg3[%add3A_93] : memref<500736xf32, #tpu.memory_space<hbm>> -> memref<7824xf32, #tpu.memory_space<hbm>>
      tpu.enqueue_dma source(%dma_start3A_315 : memref<7824xf32, #tpu.memory_space<hbm>>) target(%dma_start3A_314 : memref<7824xf32, #tpu.memory_space<vmem>>) target_semaphore(%arg11 : memref<!tpu.dma_semaphore, #tpu.memory_space<semaphore_mem>>)
      %dma_wait3A_316 = arith.constant 0 : i32
      %dma_wait3A_317 = tpu.memref_slice %arg10[%dma_wait3A_316] : memref<20864xf32, #tpu.memory_space<vmem>> -> memref<7824xf32, #tpu.memory_space<vmem>>
      %dma_wait3A_318 = tpu.memref_slice %arg3[%add3A_93] : memref<500736xf32, #tpu.memory_space<hbm>> -> memref<7824xf32, #tpu.memory_space<hbm>>
      %dma_wait3A_319 = arith.constant 0 : i32
      %dma_wait3A_320 = tpu.memref_slice %arg10[%dma_wait3A_319] : memref<20864xf32, #tpu.memory_space<vmem>> -> memref<7824xf32, #tpu.memory_space<vmem>>
      %dma_wait3A_321 = tpu.memref_slice %arg3[%add3A_93] : memref<500736xf32, #tpu.memory_space<hbm>> -> memref<7824xf32, #tpu.memory_space<hbm>>
      tpu.wait_dma2 semaphore(%arg11 : memref<!tpu.dma_semaphore, #tpu.memory_space<semaphore_mem>>) src(%dma_wait3A_321 : memref<7824xf32, #tpu.memory_space<hbm>>) dst(%dma_wait3A_320 : memref<7824xf32, #tpu.memory_space<vmem>>)
    } else {
    }
    %dma_start3A_112 = arith.constant 0 : i32
    %dma_start3A_113 = tpu.memref_slice %arg10[%dma_start3A_112] : memref<20864xf32, #tpu.memory_space<vmem>> -> memref<7824xf32, #tpu.memory_space<vmem>>
    %dma_start3A_114 = tpu.memref_slice %arg6[%add3A_93] : memref<500736xf32, #tpu.memory_space<vmem_shared>> -> memref<7824xf32, #tpu.memory_space<vmem_shared>>
    %dma_start3A_115 = tpu.memref_slice %arg6[%add3A_93] : memref<500736xf32, #tpu.memory_space<vmem_shared>> -> memref<7824xf32, #tpu.memory_space<vmem_shared>>
    %dma_start3A_116 = arith.constant 0 : i32
    %dma_start3A_117 = tpu.memref_slice %arg10[%dma_start3A_116] : memref<20864xf32, #tpu.memory_space<vmem>> -> memref<7824xf32, #tpu.memory_space<vmem>>
    tpu.enqueue_dma source(%dma_start3A_117 : memref<7824xf32, #tpu.memory_space<vmem>>) target(%dma_start3A_115 : memref<7824xf32, #tpu.memory_space<vmem_shared>>) target_semaphore(%arg11 : memref<!tpu.dma_semaphore, #tpu.memory_space<semaphore_mem>>)
    %add3A_118 = arith.constant 23472 : i32
    %add3A_119 = arith.addi %mul3A_0, %add3A_118 : i32
    %add3A_120 = arith.constant 7824 : i32
    %add3A_121 = arith.addi %mul3A_0, %add3A_120 : i32
    %dma_wait3A_122 = arith.constant 7824 : i32
    %dma_wait3A_123 = tpu.memref_slice %arg10[%dma_wait3A_122] : memref<20864xf32, #tpu.memory_space<vmem>> -> memref<7824xf32, #tpu.memory_space<vmem>>
    %dma_wait3A_124 = tpu.memref_slice %arg6[%add3A_121] : memref<500736xf32, #tpu.memory_space<vmem_shared>> -> memref<7824xf32, #tpu.memory_space<vmem_shared>>
    %dma_wait3A_125 = tpu.memref_slice %arg6[%add3A_121] : memref<500736xf32, #tpu.memory_space<vmem_shared>> -> memref<7824xf32, #tpu.memory_space<vmem_shared>>
    %dma_wait3A_126 = arith.constant 7824 : i32
    %dma_wait3A_127 = tpu.memref_slice %arg10[%dma_wait3A_126] : memref<20864xf32, #tpu.memory_space<vmem>> -> memref<7824xf32, #tpu.memory_space<vmem>>
    tpu.wait_dma2 semaphore(%arg12 : memref<!tpu.dma_semaphore, #tpu.memory_space<semaphore_mem>>) src(%dma_wait3A_127 : memref<7824xf32, #tpu.memory_space<vmem>>) dst(%dma_wait3A_125 : memref<7824xf32, #tpu.memory_space<vmem_shared>>)
    %eq3A_128 = arith.constant 0 : i32
    %eq3A_129 = arith.cmpi eq, %arg0, %eq3A_128 : i32
    %convert_element_type3A_130 = arith.extui %eq3A_129 : i1 to i32
    %cond3A_131 = arith.constant 0 : i32
    %cond3A_132 = arith.cmpi ne, %convert_element_type3A_130, %cond3A_131 : i32
    scf.if %cond3A_132 {
      %dma_start3A_310 = arith.constant 7824 : i32
      %dma_start3A_311 = tpu.memref_slice %arg10[%dma_start3A_310] : memref<20864xf32, #tpu.memory_space<vmem>> -> memref<7824xf32, #tpu.memory_space<vmem>>
      %dma_start3A_312 = tpu.memref_slice %arg2[%add3A_119] : memref<500736xf32, #tpu.memory_space<hbm>> -> memref<7824xf32, #tpu.memory_space<hbm>>
      %dma_start3A_313 = arith.constant 7824 : i32
      %dma_start3A_314 = tpu.memref_slice %arg10[%dma_start3A_313] : memref<20864xf32, #tpu.memory_space<vmem>> -> memref<7824xf32, #tpu.memory_space<vmem>>
      %dma_start3A_315 = tpu.memref_slice %arg2[%add3A_119] : memref<500736xf32, #tpu.memory_space<hbm>> -> memref<7824xf32, #tpu.memory_space<hbm>>
      tpu.enqueue_dma source(%dma_start3A_315 : memref<7824xf32, #tpu.memory_space<hbm>>) target(%dma_start3A_314 : memref<7824xf32, #tpu.memory_space<vmem>>) target_semaphore(%arg12 : memref<!tpu.dma_semaphore, #tpu.memory_space<semaphore_mem>>)
      %dma_wait3A_316 = arith.constant 7824 : i32
      %dma_wait3A_317 = tpu.memref_slice %arg10[%dma_wait3A_316] : memref<20864xf32, #tpu.memory_space<vmem>> -> memref<7824xf32, #tpu.memory_space<vmem>>
      %dma_wait3A_318 = tpu.memref_slice %arg2[%add3A_119] : memref<500736xf32, #tpu.memory_space<hbm>> -> memref<7824xf32, #tpu.memory_space<hbm>>
      %dma_wait3A_319 = arith.constant 7824 : i32
      %dma_wait3A_320 = tpu.memref_slice %arg10[%dma_wait3A_319] : memref<20864xf32, #tpu.memory_space<vmem>> -> memref<7824xf32, #tpu.memory_space<vmem>>
      %dma_wait3A_321 = tpu.memref_slice %arg2[%add3A_119] : memref<500736xf32, #tpu.memory_space<hbm>> -> memref<7824xf32, #tpu.memory_space<hbm>>
      tpu.wait_dma2 semaphore(%arg12 : memref<!tpu.dma_semaphore, #tpu.memory_space<semaphore_mem>>) src(%dma_wait3A_321 : memref<7824xf32, #tpu.memory_space<hbm>>) dst(%dma_wait3A_320 : memref<7824xf32, #tpu.memory_space<vmem>>)
    } else {
    }
    %ne3A_133 = arith.constant 0 : i32
    %ne3A_134 = arith.cmpi ne, %arg0, %ne3A_133 : i32
    %convert_element_type3A_135 = arith.extui %ne3A_134 : i1 to i32
    %cond3A_136 = arith.constant 0 : i32
    %cond3A_137 = arith.cmpi ne, %convert_element_type3A_135, %cond3A_136 : i32
    scf.if %cond3A_137 {
      %dma_start3A_310 = arith.constant 7824 : i32
      %dma_start3A_311 = tpu.memref_slice %arg10[%dma_start3A_310] : memref<20864xf32, #tpu.memory_space<vmem>> -> memref<7824xf32, #tpu.memory_space<vmem>>
      %dma_start3A_312 = tpu.memref_slice %arg3[%add3A_119] : memref<500736xf32, #tpu.memory_space<hbm>> -> memref<7824xf32, #tpu.memory_space<hbm>>
      %dma_start3A_313 = arith.constant 7824 : i32
      %dma_start3A_314 = tpu.memref_slice %arg10[%dma_start3A_313] : memref<20864xf32, #tpu.memory_space<vmem>> -> memref<7824xf32, #tpu.memory_space<vmem>>
      %dma_start3A_315 = tpu.memref_slice %arg3[%add3A_119] : memref<500736xf32, #tpu.memory_space<hbm>> -> memref<7824xf32, #tpu.memory_space<hbm>>
      tpu.enqueue_dma source(%dma_start3A_315 : memref<7824xf32, #tpu.memory_space<hbm>>) target(%dma_start3A_314 : memref<7824xf32, #tpu.memory_space<vmem>>) target_semaphore(%arg12 : memref<!tpu.dma_semaphore, #tpu.memory_space<semaphore_mem>>)
      %dma_wait3A_316 = arith.constant 7824 : i32
      %dma_wait3A_317 = tpu.memref_slice %arg10[%dma_wait3A_316] : memref<20864xf32, #tpu.memory_space<vmem>> -> memref<7824xf32, #tpu.memory_space<vmem>>
      %dma_wait3A_318 = tpu.memref_slice %arg3[%add3A_119] : memref<500736xf32, #tpu.memory_space<hbm>> -> memref<7824xf32, #tpu.memory_space<hbm>>
      %dma_wait3A_319 = arith.constant 7824 : i32
      %dma_wait3A_320 = tpu.memref_slice %arg10[%dma_wait3A_319] : memref<20864xf32, #tpu.memory_space<vmem>> -> memref<7824xf32, #tpu.memory_space<vmem>>
      %dma_wait3A_321 = tpu.memref_slice %arg3[%add3A_119] : memref<500736xf32, #tpu.memory_space<hbm>> -> memref<7824xf32, #tpu.memory_space<hbm>>
      tpu.wait_dma2 semaphore(%arg12 : memref<!tpu.dma_semaphore, #tpu.memory_space<semaphore_mem>>) src(%dma_wait3A_321 : memref<7824xf32, #tpu.memory_space<hbm>>) dst(%dma_wait3A_320 : memref<7824xf32, #tpu.memory_space<vmem>>)
    } else {
    }
    %dma_start3A_138 = arith.constant 7824 : i32
    %dma_start3A_139 = tpu.memref_slice %arg10[%dma_start3A_138] : memref<20864xf32, #tpu.memory_space<vmem>> -> memref<7824xf32, #tpu.memory_space<vmem>>
    %dma_start3A_140 = tpu.memref_slice %arg6[%add3A_119] : memref<500736xf32, #tpu.memory_space<vmem_shared>> -> memref<7824xf32, #tpu.memory_space<vmem_shared>>
    %dma_start3A_141 = tpu.memref_slice %arg6[%add3A_119] : memref<500736xf32, #tpu.memory_space<vmem_shared>> -> memref<7824xf32, #tpu.memory_space<vmem_shared>>
    %dma_start3A_142 = arith.constant 7824 : i32
    %dma_start3A_143 = tpu.memref_slice %arg10[%dma_start3A_142] : memref<20864xf32, #tpu.memory_space<vmem>> -> memref<7824xf32, #tpu.memory_space<vmem>>
    tpu.enqueue_dma source(%dma_start3A_143 : memref<7824xf32, #tpu.memory_space<vmem>>) target(%dma_start3A_141 : memref<7824xf32, #tpu.memory_space<vmem_shared>>) target_semaphore(%arg12 : memref<!tpu.dma_semaphore, #tpu.memory_space<semaphore_mem>>)
    %add3A_144 = arith.constant 15648 : i32
    %add3A_145 = arith.addi %mul3A_0, %add3A_144 : i32
    %dma_wait3A_146 = arith.constant 0 : i32
    %dma_wait3A_147 = tpu.memref_slice %arg10[%dma_wait3A_146] : memref<20864xf32, #tpu.memory_space<vmem>> -> memref<7824xf32, #tpu.memory_space<vmem>>
    %dma_wait3A_148 = tpu.memref_slice %arg6[%add3A_145] : memref<500736xf32, #tpu.memory_space<vmem_shared>> -> memref<7824xf32, #tpu.memory_space<vmem_shared>>
    %dma_wait3A_149 = tpu.memref_slice %arg6[%add3A_145] : memref<500736xf32, #tpu.memory_space<vmem_shared>> -> memref<7824xf32, #tpu.memory_space<vmem_shared>>
    %dma_wait3A_150 = arith.constant 0 : i32
    %dma_wait3A_151 = tpu.memref_slice %arg10[%dma_wait3A_150] : memref<20864xf32, #tpu.memory_space<vmem>> -> memref<7824xf32, #tpu.memory_space<vmem>>
    tpu.wait_dma2 semaphore(%arg11 : memref<!tpu.dma_semaphore, #tpu.memory_space<semaphore_mem>>) src(%dma_wait3A_151 : memref<7824xf32, #tpu.memory_space<vmem>>) dst(%dma_wait3A_149 : memref<7824xf32, #tpu.memory_space<vmem_shared>>)
    %add3A_152 = arith.constant 23472 : i32
    %add3A_153 = arith.addi %mul3A_0, %add3A_152 : i32
    %dma_wait3A_154 = arith.constant 7824 : i32
    %dma_wait3A_155 = tpu.memref_slice %arg10[%dma_wait3A_154] : memref<20864xf32, #tpu.memory_space<vmem>> -> memref<7824xf32, #tpu.memory_space<vmem>>
    %dma_wait3A_156 = tpu.memref_slice %arg6[%add3A_153] : memref<500736xf32, #tpu.memory_space<vmem_shared>> -> memref<7824xf32, #tpu.memory_space<vmem_shared>>
    %dma_wait3A_157 = tpu.memref_slice %arg6[%add3A_153] : memref<500736xf32, #tpu.memory_space<vmem_shared>> -> memref<7824xf32, #tpu.memory_space<vmem_shared>>
    %dma_wait3A_158 = arith.constant 7824 : i32
    %dma_wait3A_159 = tpu.memref_slice %arg10[%dma_wait3A_158] : memref<20864xf32, #tpu.memory_space<vmem>> -> memref<7824xf32, #tpu.memory_space<vmem>>
    tpu.wait_dma2 semaphore(%arg12 : memref<!tpu.dma_semaphore, #tpu.memory_space<semaphore_mem>>) src(%dma_wait3A_159 : memref<7824xf32, #tpu.memory_space<vmem>>) dst(%dma_wait3A_157 : memref<7824xf32, #tpu.memory_space<vmem_shared>>)
    %barrier3A = arith.constant 0 : index
    tpu.barrier barrier_id(%barrier3A)
    %mul3A_160 = arith.constant 500736 : i32
    %mul3A_161 = arith.muli %arg1, %mul3A_160 : i32
    %dma_start3A_162 = arith.constant 0 : i32
    %dma_start3A_163 = tpu.memref_slice %arg4[%dma_start3A_162, %mul3A_161] : memref<2x8011776xi32, #tpu.memory_space<hbm>> -> memref<1x20864xi32, #tpu.memory_space<hbm>>
    %dma_start3A_164 = tpu.memref_squeeze %dma_start3A_163 : memref<1x20864xi32, #tpu.memory_space<hbm>> -> memref<20864xi32, #tpu.memory_space<hbm>>
    %dma_start3A_165 = tpu.memref_slice %arg4[%dma_start3A_162, %mul3A_161] : memref<2x8011776xi32, #tpu.memory_space<hbm>> -> memref<1x20864xi32, #tpu.memory_space<hbm>>
    %dma_start3A_166 = tpu.memref_squeeze %dma_start3A_165 : memref<1x20864xi32, #tpu.memory_space<hbm>> -> memref<20864xi32, #tpu.memory_space<hbm>>
    tpu.enqueue_dma source(%dma_start3A_166 : memref<20864xi32, #tpu.memory_space<hbm>>) target(%arg8 : memref<20864xi32, #tpu.memory_space<vmem>>) target_semaphore(%arg11 : memref<!tpu.dma_semaphore, #tpu.memory_space<semaphore_mem>>)
    %scan3A_167 = arith.constant 0 : i32
    %scan3A_168 = arith.constant 0 : i32
    %scan3A_169 = arith.constant 24 : i32
    %scan3A_170 = arith.addi %scan3A_168, %scan3A_169 : i32
    %scan3A_171 = arith.constant 1 : i32
    scf.for %scan3A_310 = %scan3A_168 to %scan3A_170 step %scan3A_171  : i32 {
      %mul3A_311 = arith.constant 20864 : i32
      %mul3A_312 = arith.muli %scan3A_310, %mul3A_311 : i32
      %add3A_313 = arith.addi %mul3A_161, %mul3A_312 : i32
      %dma_start3A_314 = arith.constant 1 : i32
      %dma_start3A_315 = tpu.memref_slice %arg4[%dma_start3A_314, %add3A_313] : memref<2x8011776xi32, #tpu.memory_space<hbm>> -> memref<1x20864xi32, #tpu.memory_space<hbm>>
      %dma_start3A_316 = tpu.memref_squeeze %dma_start3A_315 : memref<1x20864xi32, #tpu.memory_space<hbm>> -> memref<20864xi32, #tpu.memory_space<hbm>>
      %dma_start3A_317 = tpu.memref_slice %arg4[%dma_start3A_314, %add3A_313] : memref<2x8011776xi32, #tpu.memory_space<hbm>> -> memref<1x20864xi32, #tpu.memory_space<hbm>>
      %dma_start3A_318 = tpu.memref_squeeze %dma_start3A_317 : memref<1x20864xi32, #tpu.memory_space<hbm>> -> memref<20864xi32, #tpu.memory_space<hbm>>
      tpu.enqueue_dma source(%dma_start3A_318 : memref<20864xi32, #tpu.memory_space<hbm>>) target(%arg9 : memref<20864xi32, #tpu.memory_space<vmem>>) target_semaphore(%arg12 : memref<!tpu.dma_semaphore, #tpu.memory_space<semaphore_mem>>)
      %dma_wait3A_319 = arith.constant 0 : i32
      %dma_wait3A_320 = tpu.memref_slice %arg4[%dma_wait3A_319, %add3A_313] : memref<2x8011776xi32, #tpu.memory_space<hbm>> -> memref<1x20864xi32, #tpu.memory_space<hbm>>
      %dma_wait3A_321 = tpu.memref_squeeze %dma_wait3A_320 : memref<1x20864xi32, #tpu.memory_space<hbm>> -> memref<20864xi32, #tpu.memory_space<hbm>>
      %dma_wait3A_322 = tpu.memref_slice %arg4[%dma_wait3A_319, %add3A_313] : memref<2x8011776xi32, #tpu.memory_space<hbm>> -> memref<1x20864xi32, #tpu.memory_space<hbm>>
      %dma_wait3A_323 = tpu.memref_squeeze %dma_wait3A_322 : memref<1x20864xi32, #tpu.memory_space<hbm>> -> memref<20864xi32, #tpu.memory_space<hbm>>
      tpu.wait_dma2 semaphore(%arg11 : memref<!tpu.dma_semaphore, #tpu.memory_space<semaphore_mem>>) src(%dma_wait3A_323 : memref<20864xi32, #tpu.memory_space<hbm>>) dst(%arg8 : memref<20864xi32, #tpu.memory_space<vmem>>)
      "tpu.region"() ({
        %run_scoped3A = tpu.sem_alloc : memref<!tpu.dma_semaphore, #tpu.memory_space<semaphore_mem>>
        %dma_start3A_333 = arith.constant 0 : i32
        %dma_start3A_334 = tpu.memref_slice %arg6[%dma_start3A_333] : memref<500736xf32, #tpu.memory_space<vmem_shared>> -> memref<500736xf32, #tpu.memory_space<vmem_shared>>
        tpu.enqueue_indirect_dma source(%dma_start3A_334 : memref<500736xf32, #tpu.memory_space<vmem_shared>>) target(%arg10 : memref<20864xf32, #tpu.memory_space<vmem>>) offsets(%arg8 : memref<20864xi32, #tpu.memory_space<vmem>>) semaphore(%run_scoped3A : memref<!tpu.dma_semaphore, #tpu.memory_space<semaphore_mem>>)
        %dma_wait3A_335 = arith.constant 0 : i32
        %dma_wait3A_336 = tpu.memref_slice %arg6[%dma_wait3A_335] : memref<500736xf32, #tpu.memory_space<vmem_shared>> -> memref<500736xf32, #tpu.memory_space<vmem_shared>>
        tpu.wait_indirect_dma semaphore(%run_scoped3A : memref<!tpu.dma_semaphore, #tpu.memory_space<semaphore_mem>>) src(%dma_wait3A_336 : memref<500736xf32, #tpu.memory_space<vmem_shared>>) dst(%arg10 : memref<20864xf32, #tpu.memory_space<vmem>>)
        tpu.yield
      }) : () -> ()
      %lt3A = arith.constant 23 : i32
      %lt3A_324 = arith.cmpi slt, %scan3A_310, %lt3A : i32
      %convert_element_type3A_325 = arith.extui %lt3A_324 : i1 to i32
      %cond3A_326 = arith.constant 0 : i32
      %cond3A_327 = arith.cmpi ne, %convert_element_type3A_325, %cond3A_326 : i32
      scf.if %cond3A_327 {
        %add3A_333 = arith.constant 20864 : i32
        %add3A_334 = arith.addi %add3A_313, %add3A_333 : i32
        %dma_start3A_335 = arith.constant 0 : i32
        %dma_start3A_336 = tpu.memref_slice %arg4[%dma_start3A_335, %add3A_334] : memref<2x8011776xi32, #tpu.memory_space<hbm>> -> memref<1x20864xi32, #tpu.memory_space<hbm>>
        %dma_start3A_337 = tpu.memref_squeeze %dma_start3A_336 : memref<1x20864xi32, #tpu.memory_space<hbm>> -> memref<20864xi32, #tpu.memory_space<hbm>>
        %dma_start3A_338 = tpu.memref_slice %arg4[%dma_start3A_335, %add3A_334] : memref<2x8011776xi32, #tpu.memory_space<hbm>> -> memref<1x20864xi32, #tpu.memory_space<hbm>>
        %dma_start3A_339 = tpu.memref_squeeze %dma_start3A_338 : memref<1x20864xi32, #tpu.memory_space<hbm>> -> memref<20864xi32, #tpu.memory_space<hbm>>
        tpu.enqueue_dma source(%dma_start3A_339 : memref<20864xi32, #tpu.memory_space<hbm>>) target(%arg8 : memref<20864xi32, #tpu.memory_space<vmem>>) target_semaphore(%arg11 : memref<!tpu.dma_semaphore, #tpu.memory_space<semaphore_mem>>)
      } else {
      }
      %dma_wait3A_328 = arith.constant 1 : i32
      %dma_wait3A_329 = tpu.memref_slice %arg4[%dma_wait3A_328, %add3A_313] : memref<2x8011776xi32, #tpu.memory_space<hbm>> -> memref<1x20864xi32, #tpu.memory_space<hbm>>
      %dma_wait3A_330 = tpu.memref_squeeze %dma_wait3A_329 : memref<1x20864xi32, #tpu.memory_space<hbm>> -> memref<20864xi32, #tpu.memory_space<hbm>>
      %dma_wait3A_331 = tpu.memref_slice %arg4[%dma_wait3A_328, %add3A_313] : memref<2x8011776xi32, #tpu.memory_space<hbm>> -> memref<1x20864xi32, #tpu.memory_space<hbm>>
      %dma_wait3A_332 = tpu.memref_squeeze %dma_wait3A_331 : memref<1x20864xi32, #tpu.memory_space<hbm>> -> memref<20864xi32, #tpu.memory_space<hbm>>
      tpu.wait_dma2 semaphore(%arg12 : memref<!tpu.dma_semaphore, #tpu.memory_space<semaphore_mem>>) src(%dma_wait3A_332 : memref<20864xi32, #tpu.memory_space<hbm>>) dst(%arg9 : memref<20864xi32, #tpu.memory_space<vmem>>)
      "tpu.region"() ({
        %run_scoped3A = tpu.sem_alloc : memref<!tpu.dma_semaphore, #tpu.memory_space<semaphore_mem>>
        %dma_start3A_333 = arith.constant 0 : i32
        %dma_start3A_334 = tpu.memref_slice %arg7[%dma_start3A_333] : memref<500736xf32, #tpu.memory_space<vmem_shared>> -> memref<500736xf32, #tpu.memory_space<vmem_shared>>
        tpu.enqueue_indirect_dma source(%arg10 : memref<20864xf32, #tpu.memory_space<vmem>>) target(%dma_start3A_334 : memref<500736xf32, #tpu.memory_space<vmem_shared>>) offsets(%arg9 : memref<20864xi32, #tpu.memory_space<vmem>>) semaphore(%run_scoped3A : memref<!tpu.dma_semaphore, #tpu.memory_space<semaphore_mem>>) {add = true}
        %dma_wait3A_335 = arith.constant 0 : i32
        %dma_wait3A_336 = tpu.memref_slice %arg7[%dma_wait3A_335] : memref<500736xf32, #tpu.memory_space<vmem_shared>> -> memref<500736xf32, #tpu.memory_space<vmem_shared>>
        tpu.wait_indirect_dma semaphore(%run_scoped3A : memref<!tpu.dma_semaphore, #tpu.memory_space<semaphore_mem>>) src(%arg10 : memref<20864xf32, #tpu.memory_space<vmem>>) dst(%dma_wait3A_336 : memref<500736xf32, #tpu.memory_space<vmem_shared>>)
        tpu.yield
      }) : () -> ()
    }
    %scan3A_172 = arith.constant 24 : i32
    %barrier3A_173 = arith.constant 0 : index
    tpu.barrier barrier_id(%barrier3A_173)
    %add3A_174 = arith.constant 0 : i32
    %add3A_175 = arith.addi %mul3A_0, %add3A_174 : i32
    %dma_start3A_176 = arith.constant 0 : i32
    %dma_start3A_177 = tpu.memref_slice %arg10[%dma_start3A_176] : memref<20864xf32, #tpu.memory_space<vmem>> -> memref<7824xf32, #tpu.memory_space<vmem>>
    %dma_start3A_178 = tpu.memref_slice %arg7[%add3A_175] : memref<500736xf32, #tpu.memory_space<vmem_shared>> -> memref<7824xf32, #tpu.memory_space<vmem_shared>>
    %dma_start3A_179 = arith.constant 0 : i32
    %dma_start3A_180 = tpu.memref_slice %arg10[%dma_start3A_179] : memref<20864xf32, #tpu.memory_space<vmem>> -> memref<7824xf32, #tpu.memory_space<vmem>>
    %dma_start3A_181 = tpu.memref_slice %arg7[%add3A_175] : memref<500736xf32, #tpu.memory_space<vmem_shared>> -> memref<7824xf32, #tpu.memory_space<vmem_shared>>
    tpu.enqueue_dma source(%dma_start3A_181 : memref<7824xf32, #tpu.memory_space<vmem_shared>>) target(%dma_start3A_180 : memref<7824xf32, #tpu.memory_space<vmem>>) target_semaphore(%arg11 : memref<!tpu.dma_semaphore, #tpu.memory_space<semaphore_mem>>)
    %dma_wait3A_182 = arith.constant 0 : i32
    %dma_wait3A_183 = tpu.memref_slice %arg10[%dma_wait3A_182] : memref<20864xf32, #tpu.memory_space<vmem>> -> memref<7824xf32, #tpu.memory_space<vmem>>
    %dma_wait3A_184 = tpu.memref_slice %arg7[%add3A_175] : memref<500736xf32, #tpu.memory_space<vmem_shared>> -> memref<7824xf32, #tpu.memory_space<vmem_shared>>
    %dma_wait3A_185 = arith.constant 0 : i32
    %dma_wait3A_186 = tpu.memref_slice %arg10[%dma_wait3A_185] : memref<20864xf32, #tpu.memory_space<vmem>> -> memref<7824xf32, #tpu.memory_space<vmem>>
    %dma_wait3A_187 = tpu.memref_slice %arg7[%add3A_175] : memref<500736xf32, #tpu.memory_space<vmem_shared>> -> memref<7824xf32, #tpu.memory_space<vmem_shared>>
    tpu.wait_dma2 semaphore(%arg11 : memref<!tpu.dma_semaphore, #tpu.memory_space<semaphore_mem>>) src(%dma_wait3A_187 : memref<7824xf32, #tpu.memory_space<vmem_shared>>) dst(%dma_wait3A_186 : memref<7824xf32, #tpu.memory_space<vmem>>)
    %mul3A_188 = arith.constant 500736 : i32
    %mul3A_189 = arith.muli %arg0, %mul3A_188 : i32
    %add3A_190 = arith.addi %mul3A_189, %add3A_175 : i32
    %dma_start3A_191 = arith.constant 0 : i32
    %dma_start3A_192 = tpu.memref_slice %arg10[%dma_start3A_191] : memref<20864xf32, #tpu.memory_space<vmem>> -> memref<7824xf32, #tpu.memory_space<vmem>>
    %dma_start3A_193 = tpu.memref_slice %arg5[%add3A_190] : memref<1001472xf32, #tpu.memory_space<hbm>> -> memref<7824xf32, #tpu.memory_space<hbm>>
    %dma_start3A_194 = tpu.memref_slice %arg5[%add3A_190] : memref<1001472xf32, #tpu.memory_space<hbm>> -> memref<7824xf32, #tpu.memory_space<hbm>>
    %dma_start3A_195 = arith.constant 0 : i32
    %dma_start3A_196 = tpu.memref_slice %arg10[%dma_start3A_195] : memref<20864xf32, #tpu.memory_space<vmem>> -> memref<7824xf32, #tpu.memory_space<vmem>>
    tpu.enqueue_dma source(%dma_start3A_196 : memref<7824xf32, #tpu.memory_space<vmem>>) target(%dma_start3A_194 : memref<7824xf32, #tpu.memory_space<hbm>>) target_semaphore(%arg11 : memref<!tpu.dma_semaphore, #tpu.memory_space<semaphore_mem>>)
    %add3A_197 = arith.constant 7824 : i32
    %add3A_198 = arith.addi %mul3A_0, %add3A_197 : i32
    %dma_start3A_199 = arith.constant 7824 : i32
    %dma_start3A_200 = tpu.memref_slice %arg10[%dma_start3A_199] : memref<20864xf32, #tpu.memory_space<vmem>> -> memref<7824xf32, #tpu.memory_space<vmem>>
    %dma_start3A_201 = tpu.memref_slice %arg7[%add3A_198] : memref<500736xf32, #tpu.memory_space<vmem_shared>> -> memref<7824xf32, #tpu.memory_space<vmem_shared>>
    %dma_start3A_202 = arith.constant 7824 : i32
    %dma_start3A_203 = tpu.memref_slice %arg10[%dma_start3A_202] : memref<20864xf32, #tpu.memory_space<vmem>> -> memref<7824xf32, #tpu.memory_space<vmem>>
    %dma_start3A_204 = tpu.memref_slice %arg7[%add3A_198] : memref<500736xf32, #tpu.memory_space<vmem_shared>> -> memref<7824xf32, #tpu.memory_space<vmem_shared>>
    tpu.enqueue_dma source(%dma_start3A_204 : memref<7824xf32, #tpu.memory_space<vmem_shared>>) target(%dma_start3A_203 : memref<7824xf32, #tpu.memory_space<vmem>>) target_semaphore(%arg12 : memref<!tpu.dma_semaphore, #tpu.memory_space<semaphore_mem>>)
    %dma_wait3A_205 = arith.constant 7824 : i32
    %dma_wait3A_206 = tpu.memref_slice %arg10[%dma_wait3A_205] : memref<20864xf32, #tpu.memory_space<vmem>> -> memref<7824xf32, #tpu.memory_space<vmem>>
    %dma_wait3A_207 = tpu.memref_slice %arg7[%add3A_198] : memref<500736xf32, #tpu.memory_space<vmem_shared>> -> memref<7824xf32, #tpu.memory_space<vmem_shared>>
    %dma_wait3A_208 = arith.constant 7824 : i32
    %dma_wait3A_209 = tpu.memref_slice %arg10[%dma_wait3A_208] : memref<20864xf32, #tpu.memory_space<vmem>> -> memref<7824xf32, #tpu.memory_space<vmem>>
    %dma_wait3A_210 = tpu.memref_slice %arg7[%add3A_198] : memref<500736xf32, #tpu.memory_space<vmem_shared>> -> memref<7824xf32, #tpu.memory_space<vmem_shared>>
    tpu.wait_dma2 semaphore(%arg12 : memref<!tpu.dma_semaphore, #tpu.memory_space<semaphore_mem>>) src(%dma_wait3A_210 : memref<7824xf32, #tpu.memory_space<vmem_shared>>) dst(%dma_wait3A_209 : memref<7824xf32, #tpu.memory_space<vmem>>)
    %mul3A_211 = arith.constant 500736 : i32
    %mul3A_212 = arith.muli %arg0, %mul3A_211 : i32
    %add3A_213 = arith.addi %mul3A_212, %add3A_198 : i32
    %dma_start3A_214 = arith.constant 7824 : i32
    %dma_start3A_215 = tpu.memref_slice %arg10[%dma_start3A_214] : memref<20864xf32, #tpu.memory_space<vmem>> -> memref<7824xf32, #tpu.memory_space<vmem>>
    %dma_start3A_216 = tpu.memref_slice %arg5[%add3A_213] : memref<1001472xf32, #tpu.memory_space<hbm>> -> memref<7824xf32, #tpu.memory_space<hbm>>
    %dma_start3A_217 = tpu.memref_slice %arg5[%add3A_213] : memref<1001472xf32, #tpu.memory_space<hbm>> -> memref<7824xf32, #tpu.memory_space<hbm>>
    %dma_start3A_218 = arith.constant 7824 : i32
    %dma_start3A_219 = tpu.memref_slice %arg10[%dma_start3A_218] : memref<20864xf32, #tpu.memory_space<vmem>> -> memref<7824xf32, #tpu.memory_space<vmem>>
    tpu.enqueue_dma source(%dma_start3A_219 : memref<7824xf32, #tpu.memory_space<vmem>>) target(%dma_start3A_217 : memref<7824xf32, #tpu.memory_space<hbm>>) target_semaphore(%arg12 : memref<!tpu.dma_semaphore, #tpu.memory_space<semaphore_mem>>)
    %add3A_220 = arith.constant 15648 : i32
    %add3A_221 = arith.addi %mul3A_0, %add3A_220 : i32
    %mul3A_222 = arith.constant 500736 : i32
    %mul3A_223 = arith.muli %arg0, %mul3A_222 : i32
    %add3A_224 = arith.addi %mul3A_223, %mul3A_0 : i32
    %add3A_225 = arith.constant 0 : i32
    %add3A_226 = arith.addi %add3A_224, %add3A_225 : i32
    %dma_wait3A_227 = arith.constant 0 : i32
    %dma_wait3A_228 = tpu.memref_slice %arg10[%dma_wait3A_227] : memref<20864xf32, #tpu.memory_space<vmem>> -> memref<7824xf32, #tpu.memory_space<vmem>>
    %dma_wait3A_229 = tpu.memref_slice %arg5[%add3A_226] : memref<1001472xf32, #tpu.memory_space<hbm>> -> memref<7824xf32, #tpu.memory_space<hbm>>
    %dma_wait3A_230 = tpu.memref_slice %arg5[%add3A_226] : memref<1001472xf32, #tpu.memory_space<hbm>> -> memref<7824xf32, #tpu.memory_space<hbm>>
    %dma_wait3A_231 = arith.constant 0 : i32
    %dma_wait3A_232 = tpu.memref_slice %arg10[%dma_wait3A_231] : memref<20864xf32, #tpu.memory_space<vmem>> -> memref<7824xf32, #tpu.memory_space<vmem>>
    tpu.wait_dma2 semaphore(%arg11 : memref<!tpu.dma_semaphore, #tpu.memory_space<semaphore_mem>>) src(%dma_wait3A_232 : memref<7824xf32, #tpu.memory_space<vmem>>) dst(%dma_wait3A_230 : memref<7824xf32, #tpu.memory_space<hbm>>)
    %dma_start3A_233 = arith.constant 0 : i32
    %dma_start3A_234 = tpu.memref_slice %arg10[%dma_start3A_233] : memref<20864xf32, #tpu.memory_space<vmem>> -> memref<7824xf32, #tpu.memory_space<vmem>>
    %dma_start3A_235 = tpu.memref_slice %arg7[%add3A_221] : memref<500736xf32, #tpu.memory_space<vmem_shared>> -> memref<7824xf32, #tpu.memory_space<vmem_shared>>
    %dma_start3A_236 = arith.constant 0 : i32
    %dma_start3A_237 = tpu.memref_slice %arg10[%dma_start3A_236] : memref<20864xf32, #tpu.memory_space<vmem>> -> memref<7824xf32, #tpu.memory_space<vmem>>
    %dma_start3A_238 = tpu.memref_slice %arg7[%add3A_221] : memref<500736xf32, #tpu.memory_space<vmem_shared>> -> memref<7824xf32, #tpu.memory_space<vmem_shared>>
    tpu.enqueue_dma source(%dma_start3A_238 : memref<7824xf32, #tpu.memory_space<vmem_shared>>) target(%dma_start3A_237 : memref<7824xf32, #tpu.memory_space<vmem>>) target_semaphore(%arg11 : memref<!tpu.dma_semaphore, #tpu.memory_space<semaphore_mem>>)
    %dma_wait3A_239 = arith.constant 0 : i32
    %dma_wait3A_240 = tpu.memref_slice %arg10[%dma_wait3A_239] : memref<20864xf32, #tpu.memory_space<vmem>> -> memref<7824xf32, #tpu.memory_space<vmem>>
    %dma_wait3A_241 = tpu.memref_slice %arg7[%add3A_221] : memref<500736xf32, #tpu.memory_space<vmem_shared>> -> memref<7824xf32, #tpu.memory_space<vmem_shared>>
    %dma_wait3A_242 = arith.constant 0 : i32
    %dma_wait3A_243 = tpu.memref_slice %arg10[%dma_wait3A_242] : memref<20864xf32, #tpu.memory_space<vmem>> -> memref<7824xf32, #tpu.memory_space<vmem>>
    %dma_wait3A_244 = tpu.memref_slice %arg7[%add3A_221] : memref<500736xf32, #tpu.memory_space<vmem_shared>> -> memref<7824xf32, #tpu.memory_space<vmem_shared>>
    tpu.wait_dma2 semaphore(%arg11 : memref<!tpu.dma_semaphore, #tpu.memory_space<semaphore_mem>>) src(%dma_wait3A_244 : memref<7824xf32, #tpu.memory_space<vmem_shared>>) dst(%dma_wait3A_243 : memref<7824xf32, #tpu.memory_space<vmem>>)
    %mul3A_245 = arith.constant 500736 : i32
    %mul3A_246 = arith.muli %arg0, %mul3A_245 : i32
    %add3A_247 = arith.addi %mul3A_246, %add3A_221 : i32
    %dma_start3A_248 = arith.constant 0 : i32
    %dma_start3A_249 = tpu.memref_slice %arg10[%dma_start3A_248] : memref<20864xf32, #tpu.memory_space<vmem>> -> memref<7824xf32, #tpu.memory_space<vmem>>
    %dma_start3A_250 = tpu.memref_slice %arg5[%add3A_247] : memref<1001472xf32, #tpu.memory_space<hbm>> -> memref<7824xf32, #tpu.memory_space<hbm>>
    %dma_start3A_251 = tpu.memref_slice %arg5[%add3A_247] : memref<1001472xf32, #tpu.memory_space<hbm>> -> memref<7824xf32, #tpu.memory_space<hbm>>
    %dma_start3A_252 = arith.constant 0 : i32
    %dma_start3A_253 = tpu.memref_slice %arg10[%dma_start3A_252] : memref<20864xf32, #tpu.memory_space<vmem>> -> memref<7824xf32, #tpu.memory_space<vmem>>
    tpu.enqueue_dma source(%dma_start3A_253 : memref<7824xf32, #tpu.memory_space<vmem>>) target(%dma_start3A_251 : memref<7824xf32, #tpu.memory_space<hbm>>) target_semaphore(%arg11 : memref<!tpu.dma_semaphore, #tpu.memory_space<semaphore_mem>>)
    %add3A_254 = arith.constant 23472 : i32
    %add3A_255 = arith.addi %mul3A_0, %add3A_254 : i32
    %mul3A_256 = arith.constant 500736 : i32
    %mul3A_257 = arith.muli %arg0, %mul3A_256 : i32
    %add3A_258 = arith.addi %mul3A_257, %mul3A_0 : i32
    %add3A_259 = arith.constant 7824 : i32
    %add3A_260 = arith.addi %add3A_258, %add3A_259 : i32
    %dma_wait3A_261 = arith.constant 7824 : i32
    %dma_wait3A_262 = tpu.memref_slice %arg10[%dma_wait3A_261] : memref<20864xf32, #tpu.memory_space<vmem>> -> memref<7824xf32, #tpu.memory_space<vmem>>
    %dma_wait3A_263 = tpu.memref_slice %arg5[%add3A_260] : memref<1001472xf32, #tpu.memory_space<hbm>> -> memref<7824xf32, #tpu.memory_space<hbm>>
    %dma_wait3A_264 = tpu.memref_slice %arg5[%add3A_260] : memref<1001472xf32, #tpu.memory_space<hbm>> -> memref<7824xf32, #tpu.memory_space<hbm>>
    %dma_wait3A_265 = arith.constant 7824 : i32
    %dma_wait3A_266 = tpu.memref_slice %arg10[%dma_wait3A_265] : memref<20864xf32, #tpu.memory_space<vmem>> -> memref<7824xf32, #tpu.memory_space<vmem>>
    tpu.wait_dma2 semaphore(%arg12 : memref<!tpu.dma_semaphore, #tpu.memory_space<semaphore_mem>>) src(%dma_wait3A_266 : memref<7824xf32, #tpu.memory_space<vmem>>) dst(%dma_wait3A_264 : memref<7824xf32, #tpu.memory_space<hbm>>)
    %dma_start3A_267 = arith.constant 7824 : i32
    %dma_start3A_268 = tpu.memref_slice %arg10[%dma_start3A_267] : memref<20864xf32, #tpu.memory_space<vmem>> -> memref<7824xf32, #tpu.memory_space<vmem>>
    %dma_start3A_269 = tpu.memref_slice %arg7[%add3A_255] : memref<500736xf32, #tpu.memory_space<vmem_shared>> -> memref<7824xf32, #tpu.memory_space<vmem_shared>>
    %dma_start3A_270 = arith.constant 7824 : i32
    %dma_start3A_271 = tpu.memref_slice %arg10[%dma_start3A_270] : memref<20864xf32, #tpu.memory_space<vmem>> -> memref<7824xf32, #tpu.memory_space<vmem>>
    %dma_start3A_272 = tpu.memref_slice %arg7[%add3A_255] : memref<500736xf32, #tpu.memory_space<vmem_shared>> -> memref<7824xf32, #tpu.memory_space<vmem_shared>>
    tpu.enqueue_dma source(%dma_start3A_272 : memref<7824xf32, #tpu.memory_space<vmem_shared>>) target(%dma_start3A_271 : memref<7824xf32, #tpu.memory_space<vmem>>) target_semaphore(%arg12 : memref<!tpu.dma_semaphore, #tpu.memory_space<semaphore_mem>>)
    %dma_wait3A_273 = arith.constant 7824 : i32
    %dma_wait3A_274 = tpu.memref_slice %arg10[%dma_wait3A_273] : memref<20864xf32, #tpu.memory_space<vmem>> -> memref<7824xf32, #tpu.memory_space<vmem>>
    %dma_wait3A_275 = tpu.memref_slice %arg7[%add3A_255] : memref<500736xf32, #tpu.memory_space<vmem_shared>> -> memref<7824xf32, #tpu.memory_space<vmem_shared>>
    %dma_wait3A_276 = arith.constant 7824 : i32
    %dma_wait3A_277 = tpu.memref_slice %arg10[%dma_wait3A_276] : memref<20864xf32, #tpu.memory_space<vmem>> -> memref<7824xf32, #tpu.memory_space<vmem>>
    %dma_wait3A_278 = tpu.memref_slice %arg7[%add3A_255] : memref<500736xf32, #tpu.memory_space<vmem_shared>> -> memref<7824xf32, #tpu.memory_space<vmem_shared>>
    tpu.wait_dma2 semaphore(%arg12 : memref<!tpu.dma_semaphore, #tpu.memory_space<semaphore_mem>>) src(%dma_wait3A_278 : memref<7824xf32, #tpu.memory_space<vmem_shared>>) dst(%dma_wait3A_277 : memref<7824xf32, #tpu.memory_space<vmem>>)
    %mul3A_279 = arith.constant 500736 : i32
    %mul3A_280 = arith.muli %arg0, %mul3A_279 : i32
    %add3A_281 = arith.addi %mul3A_280, %add3A_255 : i32
    %dma_start3A_282 = arith.constant 7824 : i32
    %dma_start3A_283 = tpu.memref_slice %arg10[%dma_start3A_282] : memref<20864xf32, #tpu.memory_space<vmem>> -> memref<7824xf32, #tpu.memory_space<vmem>>
    %dma_start3A_284 = tpu.memref_slice %arg5[%add3A_281] : memref<1001472xf32, #tpu.memory_space<hbm>> -> memref<7824xf32, #tpu.memory_space<hbm>>
    %dma_start3A_285 = tpu.memref_slice %arg5[%add3A_281] : memref<1001472xf32, #tpu.memory_space<hbm>> -> memref<7824xf32, #tpu.memory_space<hbm>>
    %dma_start3A_286 = arith.constant 7824 : i32
    %dma_start3A_287 = tpu.memref_slice %arg10[%dma_start3A_286] : memref<20864xf32, #tpu.memory_space<vmem>> -> memref<7824xf32, #tpu.memory_space<vmem>>
    tpu.enqueue_dma source(%dma_start3A_287 : memref<7824xf32, #tpu.memory_space<vmem>>) target(%dma_start3A_285 : memref<7824xf32, #tpu.memory_space<hbm>>) target_semaphore(%arg12 : memref<!tpu.dma_semaphore, #tpu.memory_space<semaphore_mem>>)
    %mul3A_288 = arith.constant 500736 : i32
    %mul3A_289 = arith.muli %arg0, %mul3A_288 : i32
    %add3A_290 = arith.addi %mul3A_289, %mul3A_0 : i32
    %add3A_291 = arith.constant 15648 : i32
    %add3A_292 = arith.addi %add3A_290, %add3A_291 : i32
    %dma_wait3A_293 = arith.constant 0 : i32
    %dma_wait3A_294 = tpu.memref_slice %arg10[%dma_wait3A_293] : memref<20864xf32, #tpu.memory_space<vmem>> -> memref<7824xf32, #tpu.memory_space<vmem>>
    %dma_wait3A_295 = tpu.memref_slice %arg5[%add3A_292] : memref<1001472xf32, #tpu.memory_space<hbm>> -> memref<7824xf32, #tpu.memory_space<hbm>>
    %dma_wait3A_296 = tpu.memref_slice %arg5[%add3A_292] : memref<1001472xf32, #tpu.memory_space<hbm>> -> memref<7824xf32, #tpu.memory_space<hbm>>
    %dma_wait3A_297 = arith.constant 0 : i32
    %dma_wait3A_298 = tpu.memref_slice %arg10[%dma_wait3A_297] : memref<20864xf32, #tpu.memory_space<vmem>> -> memref<7824xf32, #tpu.memory_space<vmem>>
    tpu.wait_dma2 semaphore(%arg11 : memref<!tpu.dma_semaphore, #tpu.memory_space<semaphore_mem>>) src(%dma_wait3A_298 : memref<7824xf32, #tpu.memory_space<vmem>>) dst(%dma_wait3A_296 : memref<7824xf32, #tpu.memory_space<hbm>>)
    %mul3A_299 = arith.constant 500736 : i32
    %mul3A_300 = arith.muli %arg0, %mul3A_299 : i32
    %add3A_301 = arith.addi %mul3A_300, %mul3A_0 : i32
    %add3A_302 = arith.constant 23472 : i32
    %add3A_303 = arith.addi %add3A_301, %add3A_302 : i32
    %dma_wait3A_304 = arith.constant 7824 : i32
    %dma_wait3A_305 = tpu.memref_slice %arg10[%dma_wait3A_304] : memref<20864xf32, #tpu.memory_space<vmem>> -> memref<7824xf32, #tpu.memory_space<vmem>>
    %dma_wait3A_306 = tpu.memref_slice %arg5[%add3A_303] : memref<1001472xf32, #tpu.memory_space<hbm>> -> memref<7824xf32, #tpu.memory_space<hbm>>
    %dma_wait3A_307 = tpu.memref_slice %arg5[%add3A_303] : memref<1001472xf32, #tpu.memory_space<hbm>> -> memref<7824xf32, #tpu.memory_space<hbm>>
    %dma_wait3A_308 = arith.constant 7824 : i32
    %dma_wait3A_309 = tpu.memref_slice %arg10[%dma_wait3A_308] : memref<20864xf32, #tpu.memory_space<vmem>> -> memref<7824xf32, #tpu.memory_space<vmem>>
    tpu.wait_dma2 semaphore(%arg12 : memref<!tpu.dma_semaphore, #tpu.memory_space<semaphore_mem>>) src(%dma_wait3A_309 : memref<7824xf32, #tpu.memory_space<vmem>>) dst(%dma_wait3A_307 : memref<7824xf32, #tpu.memory_space<hbm>>)
    return
  }
}

module attributes {stable_mosaic.version = 14 : i64} {
  func.func @body(%arg0: memref<2x512x978xf32, #tpu.memory_space<vmem>>, %arg1: memref<512x4xf32, #tpu.memory_space<vmem>>, %arg2: memref<1x1xf32, #tpu.memory_space<vmem>>, %arg3: memref<1x1xf32, #tpu.memory_space<vmem>>, %arg4: memref<2048x978xf32, #tpu.memory_space<vmem>>, %arg5: memref<1x2048xf32, #tpu.memory_space<vmem>>, %arg6: memref<100x2048xf32, #tpu.memory_space<vmem>>, %arg7: memref<1x100xf32, #tpu.memory_space<vmem>>, %arg8: memref<4x5xf32, #tpu.memory_space<vmem>>, %arg9: memref<1x4xf32, #tpu.memory_space<vmem>>, %arg10: memref<2x4xf32, #tpu.memory_space<vmem>>, %arg11: memref<1x2xf32, #tpu.memory_space<vmem>>, %arg12: memref<512x2xf32, #tpu.memory_space<vmem>>) attributes {dimension_semantics = [], scalar_prefetch = 0 : i64, scratch_operands = 0 : i64, tpu.core_type = #tpu.core_type<tc>} {
    %get3A = arith.constant 0 : index
    %get3A_0 = arith.constant 0 : index
    %get3A_1 = vector.load %arg2[%get3A, %get3A_0] : memref<1x1xf32, #tpu.memory_space<vmem>>, vector<1x1xf32>
    %get3A_2 = arith.constant 0 : index
    %get3A_3 = arith.constant 0 : index
    %get3A_4 = vector.load %arg3[%get3A_2, %get3A_3] : memref<1x1xf32, #tpu.memory_space<vmem>>, vector<1x1xf32>
    %get3A_5 = arith.constant 0 : index
    %get3A_6 = arith.constant 0 : index
    %get3A_7 = arith.constant 0 : index
    %get3A_8 = vector.load %arg0[%get3A_5, %get3A_6, %get3A_7] : memref<2x512x978xf32, #tpu.memory_space<vmem>>, vector<1x512x978xf32>
    %get3A_9 = vector.shape_cast %get3A_8 : vector<1x512x978xf32> to vector<512x978xf32>
    %mul3A = vector.broadcast %get3A_1 : vector<1x1xf32> to vector<512x978xf32>
    %mul3A_10 = arith.mulf %get3A_9, %mul3A : vector<512x978xf32>
    %add3A = vector.broadcast %get3A_4 : vector<1x1xf32> to vector<512x978xf32>
    %add3A_11 = arith.addf %mul3A_10, %add3A : vector<512x978xf32>
    %max3A = arith.constant 0.000000e+00 : f32
    %max3A_12 = vector.broadcast %max3A : f32 to vector<512x978xf32>
    %max3A_13 = arith.maximumf %add3A_11, %max3A_12 : vector<512x978xf32>
    %get3A_14 = arith.constant 0 : index
    %get3A_15 = arith.constant 0 : index
    %get3A_16 = vector.load %arg4[%get3A_14, %get3A_15] : memref<2048x978xf32, #tpu.memory_space<vmem>>, vector<2048x978xf32>
    %dot_general3A = arith.constant dense<0.000000e+00> : vector<512x2048xf32>
    %dot_general3A_17 = tpu.matmul %max3A_13, %get3A_16, %dot_general3A {dimension_numbers = #tpu.dot_dimension_numbers<[1], [1], [0], [0], [0, 0, 1, 0], [], []>, transpose_lhs_hint = false} : vector<512x978xf32>, vector<2048x978xf32>, vector<512x2048xf32> -> vector<512x2048xf32>
    %get3A_18 = arith.constant 0 : index
    %get3A_19 = arith.constant 0 : index
    %get3A_20 = vector.load %arg5[%get3A_18, %get3A_19] : memref<1x2048xf32, #tpu.memory_space<vmem>>, vector<1x2048xf32>
    %add3A_21 = vector.broadcast %get3A_20 : vector<1x2048xf32> to vector<512x2048xf32>
    %add3A_22 = arith.addf %dot_general3A_17, %add3A_21 : vector<512x2048xf32>
    %max3A_23 = arith.constant 0.000000e+00 : f32
    %max3A_24 = vector.broadcast %max3A_23 : f32 to vector<512x2048xf32>
    %max3A_25 = arith.maximumf %add3A_22, %max3A_24 : vector<512x2048xf32>
    %get3A_26 = arith.constant 0 : index
    %get3A_27 = arith.constant 0 : index
    %get3A_28 = vector.load %arg6[%get3A_26, %get3A_27] : memref<100x2048xf32, #tpu.memory_space<vmem>>, vector<100x2048xf32>
    %dot_general3A_29 = arith.constant dense<0.000000e+00> : vector<512x100xf32>
    %dot_general3A_30 = tpu.matmul %max3A_25, %get3A_28, %dot_general3A_29 {dimension_numbers = #tpu.dot_dimension_numbers<[1], [1], [0], [0], [0, 0, 1, 0], [], []>, transpose_lhs_hint = false} : vector<512x2048xf32>, vector<100x2048xf32>, vector<512x100xf32> -> vector<512x100xf32>
    %get3A_31 = arith.constant 0 : index
    %get3A_32 = arith.constant 0 : index
    %get3A_33 = vector.load %arg7[%get3A_31, %get3A_32] : memref<1x100xf32, #tpu.memory_space<vmem>>, vector<1x100xf32>
    %add3A_34 = vector.broadcast %get3A_33 : vector<1x100xf32> to vector<512x100xf32>
    %add3A_35 = arith.addf %dot_general3A_30, %add3A_34 : vector<512x100xf32>
    %get3A_36 = arith.constant 1 : index
    %get3A_37 = arith.constant 0 : index
    %get3A_38 = arith.constant 0 : index
    %get3A_39 = vector.load %arg0[%get3A_36, %get3A_37, %get3A_38] : memref<2x512x978xf32, #tpu.memory_space<vmem>>, vector<1x512x978xf32>
    %get3A_40 = vector.shape_cast %get3A_39 : vector<1x512x978xf32> to vector<512x978xf32>
    %mul3A_41 = vector.broadcast %get3A_1 : vector<1x1xf32> to vector<512x978xf32>
    %mul3A_42 = arith.mulf %get3A_40, %mul3A_41 : vector<512x978xf32>
    %add3A_43 = vector.broadcast %get3A_4 : vector<1x1xf32> to vector<512x978xf32>
    %add3A_44 = arith.addf %mul3A_42, %add3A_43 : vector<512x978xf32>
    %max3A_45 = arith.constant 0.000000e+00 : f32
    %max3A_46 = vector.broadcast %max3A_45 : f32 to vector<512x978xf32>
    %max3A_47 = arith.maximumf %add3A_44, %max3A_46 : vector<512x978xf32>
    %get3A_48 = arith.constant 0 : index
    %get3A_49 = arith.constant 0 : index
    %get3A_50 = vector.load %arg4[%get3A_48, %get3A_49] : memref<2048x978xf32, #tpu.memory_space<vmem>>, vector<2048x978xf32>
    %dot_general3A_51 = arith.constant dense<0.000000e+00> : vector<512x2048xf32>
    %dot_general3A_52 = tpu.matmul %max3A_47, %get3A_50, %dot_general3A_51 {dimension_numbers = #tpu.dot_dimension_numbers<[1], [1], [0], [0], [0, 0, 1, 0], [], []>, transpose_lhs_hint = false} : vector<512x978xf32>, vector<2048x978xf32>, vector<512x2048xf32> -> vector<512x2048xf32>
    %get3A_53 = arith.constant 0 : index
    %get3A_54 = arith.constant 0 : index
    %get3A_55 = vector.load %arg5[%get3A_53, %get3A_54] : memref<1x2048xf32, #tpu.memory_space<vmem>>, vector<1x2048xf32>
    %add3A_56 = vector.broadcast %get3A_55 : vector<1x2048xf32> to vector<512x2048xf32>
    %add3A_57 = arith.addf %dot_general3A_52, %add3A_56 : vector<512x2048xf32>
    %max3A_58 = arith.constant 0.000000e+00 : f32
    %max3A_59 = vector.broadcast %max3A_58 : f32 to vector<512x2048xf32>
    %max3A_60 = arith.maximumf %add3A_57, %max3A_59 : vector<512x2048xf32>
    %get3A_61 = arith.constant 0 : index
    %get3A_62 = arith.constant 0 : index
    %get3A_63 = vector.load %arg6[%get3A_61, %get3A_62] : memref<100x2048xf32, #tpu.memory_space<vmem>>, vector<100x2048xf32>
    %dot_general3A_64 = arith.constant dense<0.000000e+00> : vector<512x100xf32>
    %dot_general3A_65 = tpu.matmul %max3A_60, %get3A_63, %dot_general3A_64 {dimension_numbers = #tpu.dot_dimension_numbers<[1], [1], [0], [0], [0, 0, 1, 0], [], []>, transpose_lhs_hint = false} : vector<512x2048xf32>, vector<100x2048xf32>, vector<512x100xf32> -> vector<512x100xf32>
    %get3A_66 = arith.constant 0 : index
    %get3A_67 = arith.constant 0 : index
    %get3A_68 = vector.load %arg7[%get3A_66, %get3A_67] : memref<1x100xf32, #tpu.memory_space<vmem>>, vector<1x100xf32>
    %add3A_69 = vector.broadcast %get3A_68 : vector<1x100xf32> to vector<512x100xf32>
    %add3A_70 = arith.addf %dot_general3A_65, %add3A_69 : vector<512x100xf32>
    %reduce_sum3A = arith.constant dense<0.000000e+00> : vector<512xf32>
    %reduce_sum3A_71 = vector.multi_reduction <add>, %add3A_35, %reduce_sum3A [1] : vector<512x100xf32> to vector<512xf32>
    %broadcast_in_dim3A = vector.shape_cast %reduce_sum3A_71 : vector<512xf32> to vector<512x1xf32>
    %div3A = arith.constant 1.000000e+02 : f32
    %div3A_72 = vector.broadcast %div3A : f32 to vector<512x1xf32>
    %div3A_73 = arith.divf %broadcast_in_dim3A, %div3A_72 : vector<512x1xf32>
    %sub3A = vector.broadcast %div3A_73 : vector<512x1xf32> to vector<512x100xf32>
    %sub3A_74 = arith.subf %add3A_35, %sub3A : vector<512x100xf32>
    %reduce_sum3A_75 = arith.constant dense<0.000000e+00> : vector<512xf32>
    %reduce_sum3A_76 = vector.multi_reduction <add>, %add3A_70, %reduce_sum3A_75 [1] : vector<512x100xf32> to vector<512xf32>
    %broadcast_in_dim3A_77 = vector.shape_cast %reduce_sum3A_76 : vector<512xf32> to vector<512x1xf32>
    %div3A_78 = arith.constant 1.000000e+02 : f32
    %div3A_79 = vector.broadcast %div3A_78 : f32 to vector<512x1xf32>
    %div3A_80 = arith.divf %broadcast_in_dim3A_77, %div3A_79 : vector<512x1xf32>
    %sub3A_81 = vector.broadcast %div3A_80 : vector<512x1xf32> to vector<512x100xf32>
    %sub3A_82 = arith.subf %add3A_70, %sub3A_81 : vector<512x100xf32>
    %mul3A_83 = arith.mulf %sub3A_74, %sub3A_74 : vector<512x100xf32>
    %reduce_sum3A_84 = arith.constant dense<0.000000e+00> : vector<512xf32>
    %reduce_sum3A_85 = vector.multi_reduction <add>, %mul3A_83, %reduce_sum3A_84 [1] : vector<512x100xf32> to vector<512xf32>
    %broadcast_in_dim3A_86 = vector.shape_cast %reduce_sum3A_85 : vector<512xf32> to vector<512x1xf32>
    %mul3A_87 = arith.mulf %sub3A_82, %sub3A_82 : vector<512x100xf32>
    %reduce_sum3A_88 = arith.constant dense<0.000000e+00> : vector<512xf32>
    %reduce_sum3A_89 = vector.multi_reduction <add>, %mul3A_87, %reduce_sum3A_88 [1] : vector<512x100xf32> to vector<512xf32>
    %broadcast_in_dim3A_90 = vector.shape_cast %reduce_sum3A_89 : vector<512xf32> to vector<512x1xf32>
    %mul3A_91 = arith.mulf %sub3A_74, %sub3A_82 : vector<512x100xf32>
    %reduce_sum3A_92 = arith.constant dense<0.000000e+00> : vector<512xf32>
    %reduce_sum3A_93 = vector.multi_reduction <add>, %mul3A_91, %reduce_sum3A_92 [1] : vector<512x100xf32> to vector<512xf32>
    %broadcast_in_dim3A_94 = vector.shape_cast %reduce_sum3A_93 : vector<512xf32> to vector<512x1xf32>
    %mul3A_95 = arith.mulf %broadcast_in_dim3A_86, %broadcast_in_dim3A_90 : vector<512x1xf32>
    %sqrt3A = math.sqrt %mul3A_95 : vector<512x1xf32>
    %div3A_96 = arith.divf %broadcast_in_dim3A_94, %sqrt3A : vector<512x1xf32>
    %mul3A_97 = arith.mulf %div3A_96, %div3A_96 : vector<512x1xf32>
    %get3A_98 = arith.constant 0 : index
    %get3A_99 = arith.constant 0 : index
    %get3A_100 = vector.load %arg1[%get3A_98, %get3A_99] : memref<512x4xf32, #tpu.memory_space<vmem>>, vector<512x4xf32>
    %concatenate3A = tpu.concatenate %mul3A_97, %get3A_100 in 1 : vector<512x1xf32>, vector<512x4xf32> -> vector<512x5xf32>
    %get3A_101 = arith.constant 0 : index
    %get3A_102 = arith.constant 0 : index
    %get3A_103 = vector.load %arg8[%get3A_101, %get3A_102] : memref<4x5xf32, #tpu.memory_space<vmem>>, vector<4x5xf32>
    %dot_general3A_104 = arith.constant dense<0.000000e+00> : vector<512x4xf32>
    %dot_general3A_105 = tpu.matmul %concatenate3A, %get3A_103, %dot_general3A_104 {dimension_numbers = #tpu.dot_dimension_numbers<[1], [1], [0], [0], [0, 0, 1, 0], [], []>, transpose_lhs_hint = false} : vector<512x5xf32>, vector<4x5xf32>, vector<512x4xf32> -> vector<512x4xf32>
    %get3A_106 = arith.constant 0 : index
    %get3A_107 = arith.constant 0 : index
    %get3A_108 = vector.load %arg9[%get3A_106, %get3A_107] : memref<1x4xf32, #tpu.memory_space<vmem>>, vector<1x4xf32>
    %add3A_109 = vector.broadcast %get3A_108 : vector<1x4xf32> to vector<512x4xf32>
    %add3A_110 = arith.addf %dot_general3A_105, %add3A_109 : vector<512x4xf32>
    %max3A_111 = arith.constant 0.000000e+00 : f32
    %max3A_112 = vector.broadcast %max3A_111 : f32 to vector<512x4xf32>
    %max3A_113 = arith.maximumf %add3A_110, %max3A_112 : vector<512x4xf32>
    %get3A_114 = arith.constant 0 : index
    %get3A_115 = arith.constant 0 : index
    %get3A_116 = vector.load %arg10[%get3A_114, %get3A_115] : memref<2x4xf32, #tpu.memory_space<vmem>>, vector<2x4xf32>
    %dot_general3A_117 = arith.constant dense<0.000000e+00> : vector<512x2xf32>
    %dot_general3A_118 = tpu.matmul %max3A_113, %get3A_116, %dot_general3A_117 {dimension_numbers = #tpu.dot_dimension_numbers<[1], [1], [0], [0], [0, 0, 1, 0], [], []>, transpose_lhs_hint = false} : vector<512x4xf32>, vector<2x4xf32>, vector<512x2xf32> -> vector<512x2xf32>
    %get3A_119 = arith.constant 0 : index
    %get3A_120 = arith.constant 0 : index
    %get3A_121 = vector.load %arg11[%get3A_119, %get3A_120] : memref<1x2xf32, #tpu.memory_space<vmem>>, vector<1x2xf32>
    %add3A_122 = vector.broadcast %get3A_121 : vector<1x2xf32> to vector<512x2xf32>
    %add3A_123 = arith.addf %dot_general3A_118, %add3A_122 : vector<512x2xf32>
    %swap3A = arith.constant 0 : index
    %swap3A_124 = arith.constant 0 : index
    %swap3A_125 = vector.load %arg12[%swap3A, %swap3A_124] : memref<512x2xf32, #tpu.memory_space<vmem>>, vector<512x2xf32>
    tpu.vector_store %arg12[%swap3A, %swap3A_124], %add3A_123 {strides = array<i32>} : memref<512x2xf32, #tpu.memory_space<vmem>>, vector<512x2xf32>,
    return
  }
}

</mosaic_0001>

<sc_bundles>
// kernel: kernel.4.cloned.1.call-start
scs
__scs_entry_jumppad:
0x0: {  	(pc) =	sbr.rel $0x88, $3  }
0x1: {  	(tag) =	ssettag $0x0;
	lr =	simm.s32 $0x1  }
0x2: {  	[smem:$0x3F93] =	sst lr;
	_ =	strace $0xD0000000  }
0x3: {  	_ = 	snop  }
0x4: {  	_ = 	snop  }
0x5: {  	_ = 	snop  }
0x6: {  	_ = 	snop  }
0x7: {  	_ = 	snop  }
__scs_overlays_trampoline_lowered:
0x8: {  	[smem:$0x3FA2] =	sst s0  }
0x9: {  	[smem:$0x3FA3] =	sst s1  }
0xa: {  	[smem:$0x3FA4] =	sst s2  }
0xb: {  	[smem:$0x3FA5] =	sst s3  }
0xc: {  	[smem:$0x3FA6] =	sst s4  }
0xd: {  	[smem:$0x3FA7] =	sst s5  }
0xe: {  	[smem:$0x3FA8] =	sst s6  }
0xf: {  	[smem:$0x3FA9] =	sst s7  }
0x10: {  	[smem:$0x3FAA] =	sst s8  }
0x11: {  	[smem:$0x3FAB] =	sst s9;
	s0 =	simm.s32 @!p0 $0x0  }
0x12: {  	s1 =	sld [smem:$0x3F91];
	s0 =	simm.s32 @p0 $0x1  }
0x13: {  	[smem:$0x3FAC] =	sst s0;
	s0 =	simm.s32 @!p1 $0x0  }
0x14: {  	s2 =	sld [smem:$0x3F90];
	s0 =	simm.s32 @p1 $0x1  }
0x15: {  	[smem:$0x3FAD] =	sst s0;
	s0 =	simm.s32 @!p2 $0x0  }
0x16: {  	s3 =	sld [smem:$0x3FDB];
	s0 =	simm.s32 @p2 $0x1  }
0x17: {  	s4 =	simm.s32 $0x1BF5;
	[smem:$0x3FAF] =	sst s0  }
0x18: {  	s0 =	sld [smem:$0x3F92];
	_ =	swait.ge [sflag:s4], $0x0  }
0x19: {  	s7 =	sld [smem:$0x3F93]  }
0x1a: {  	s8 =	sadd.s32 $0xFFFFE003, lr  }
0x1b: {  	s9 =	sadd.s32 $0xFFFFFEF7, lr;
	s5 =	simm.s32 $0xFFFFFFFF;
	p2 =	slt.u32 s8, $0xFFFFF086  }
0x1c: {  	p1 =	slt.u32 s9, $0xF7A;
	s5 =	simm.s32 @!p2 $0x0  }
0x1d: {  	s5 =	simm.s32 @p1 $0x1;
	p0 =	seq.s32 s7, s2  }
0x1e: {  	s7 =	smul.u32 @!p0 $0xF7A, s2;
	p2 =	seq.s32 @!p0 s5, $0x0  }
0x1f: {  	s9 =	smul.u32 $0xF7A, s1;
	s8 =	simm.s32 @!p0 $0x1BF5;
	p2 =	por !p2, p0  }
0x20: {  	[sflag:s8] =	ssyncset.s32 @!p0 $0xFFFFF086;
	s6 =	sadd.s32 @!p0 s3, s7;
	s7 =	simm.s32 @!p0 $0x108  }
0x21: {  	s3 =	sadd.s32 s3, s9;
	s6 =	sadd.s32 @!p0 $0x88, s6;
	s7 =	simm.s32 @p2 $0x1082  }
0x22: {  	[simem:s7], [sflag:s8] =	dma.local @!p0 [hbm:s6], $0xF7A  }
0x23: {  	s9 =	sor.u32 $0xD0000000, s2;
	s6 =	simm.s32 $0x108;
	_ =	swait.ge @!p0 [sflag:s8], $0x0  }
0x24: {  	s3 =	sadd.s32 $0x88, s3;
	s6 =	simm.s32 @!p1 $0x1082;
	[sflag:s4] =	ssyncset.s32 $0xFFFFF086  }
0x25: {  	[simem:s6], [sflag:s4] =	dma.local [hbm:s3], $0xF7A  }
0x26: {  	[smem:$0x3F93] =	sst s1;
	(tag) =	ssettag s2;
	_ =	strace s9  }
0x27: {  	s1 =	sld [smem:$0x3FA3]  }
0x28: {  	s2 =	sld [smem:$0x3FA4]  }
0x29: {  	s4 =	sld [smem:$0x3FA6]  }
0x2a: {  	p0 =	seq.s32 s5, $0x0;
	s5 =	sld [smem:$0x3FA7]  }
0x2b: {  	s6 =	sld [smem:$0x3FA8]  }
0x2c: {  	s7 =	sld [smem:$0x3FA9]  }
0x2d: {  	s3 =	simm.s32 $0x108;
	s8 =	sld [smem:$0x3FAA]  }
0x2e: {  	s3 =	simm.s32 @!p0 $0x1082;
	s9 =	sld [smem:$0x3FAB]  }
0x2f: {  	lr =	sadd.s32 s0, s3;
	s0 =	sld [smem:$0x3FA2]  }
0x30: {  	s3 =	sld [smem:$0x3FA5]  }
0x31: {  	[smem:$0x3FAE] =	sst s10  }
0x32: {  	s10 =	sld [smem:$0x3FAC];
	_ =	sdelay $0x3  }
0x33: {  	p0 =	seq.s32 s10, $0x1;
	s10 =	sld [smem:$0x3FAE];
	_ =	sdelay $0x3  }
0x34: {  	[smem:$0x3FAE] =	sst s10  }
0x35: {  	s10 =	sld [smem:$0x3FAD];
	_ =	sdelay $0x3  }
0x36: {  	p1 =	seq.s32 s10, $0x1;
	s10 =	sld [smem:$0x3FAE];
	_ =	sdelay $0x3  }
0x37: {  	[smem:$0x3FAE] =	sst s10  }
0x38: {  	s10 =	sld [smem:$0x3FAF]  }
0x39: {  	_ = 	snop;
	(pc) =	sbr.ind lr, $3  }
0x3a: {  	_ = 	snop  }
0x3b: {  	_ = 	snop  }
0x3c: {  	p2 =	seq.s32 s10, $0x1;
	s10 =	sld [smem:$0x3FAE]  }
0x3d: {  	_ =	shalt  }
0x3e: {  	_ =	shalt  }
0x3f: {  	_ =	shalt  }
0x40: {  	_ =	shalt  }
0x41: {  	_ =	shalt  }
0x42: {  	_ =	shalt  }
0x43: {  	_ =	shalt  }
0x44: {  	_ =	shalt  }
0x45: {  	_ =	shalt  }
0x46: {  	_ =	shalt  }
0x47: {  	_ =	shalt  }
0x48: {  	_ =	shalt  }
0x49: {  	_ =	shalt  }
0x4a: {  	_ =	shalt  }
0x4b: {  	_ =	shalt  }
0x4c: {  	_ =	shalt  }
0x4d: {  	_ =	shalt  }
0x4e: {  	_ =	shalt  }
0x4f: {  	_ =	shalt  }
0x50: {  	_ =	shalt  }
0x51: {  	_ =	shalt  }
0x52: {  	_ =	shalt  }
0x53: {  	_ =	shalt  }
0x54: {  	_ =	shalt  }
0x55: {  	_ =	shalt  }
0x56: {  	_ =	shalt  }
0x57: {  	_ =	shalt  }
0x58: {  	_ =	shalt  }
0x59: {  	_ =	shalt  }
0x5a: {  	_ =	shalt  }
0x5b: {  	_ =	shalt  }
0x5c: {  	_ =	shalt  }
0x5d: {  	_ =	shalt  }
0x5e: {  	_ =	shalt  }
0x5f: {  	_ =	shalt  }
0x60: {  	_ =	shalt  }
0x61: {  	_ =	shalt  }
0x62: {  	_ =	shalt  }
0x63: {  	_ =	shalt  }
0x64: {  	_ =	shalt  }
0x65: {  	_ =	shalt  }
0x66: {  	_ =	shalt  }
0x67: {  	_ =	shalt  }
0x68: {  	_ =	shalt  }
0x69: {  	_ =	shalt  }
0x6a: {  	_ =	shalt  }
0x6b: {  	_ =	shalt  }
0x6c: {  	_ =	shalt  }
0x6d: {  	_ =	shalt  }
0x6e: {  	_ =	shalt  }
0x6f: {  	_ =	shalt  }
0x70: {  	_ =	shalt  }
0x71: {  	_ =	shalt  }
0x72: {  	_ =	shalt  }
0x73: {  	_ =	shalt  }
0x74: {  	_ =	shalt  }
0x75: {  	_ =	shalt  }
0x76: {  	_ =	shalt  }
0x77: {  	_ =	shalt  }
0x78: {  	_ =	shalt  }
0x79: {  	_ =	shalt  }
0x7a: {  	_ =	shalt  }
0x7b: {  	_ =	shalt  }
0x7c: {  	_ =	shalt  }
0x7d: {  	_ =	shalt  }
0x7e: {  	_ =	shalt  }
0x7f: {  	_ =	shalt  }
0x80: {  	_ =	shalt  }
0x81: {  	_ =	shalt  }
0x82: {  	_ =	shalt  }
0x83: {  	_ =	shalt  }
0x84: {  	_ =	shalt  }
0x85: {  	_ =	shalt  }
0x86: {  	_ =	shalt  }
0x87: {  	_ =	shalt  }
.Lfunc_end0:
.L_simem_size_0:
called_computation_lowered:
.L_overlay_start_0:
0x88: {  	s2 =	sld [smem:$0x3FD9]  }
0x89: {  	s3 =	sld [smem:$0x3FFE];
	_ =	sdelay $0x1  }
0x8a: {  	s1 =	srdreg.scid  }
0x8b: {  	s0 =	sand.u32 $0x1, s1  }
0x8c: {  	s17 =	sshll.u32 s0, $0xA;
	s2 =	sadd.s32 s3, s2  }
0x8d: {  	s2 =	sadd.s32 s2, s17  }
0x8e: {  	[smem:$0x3FBA] =	sst s2  }
0x8f: {  	_ = 	snop  }
0x90: {  	s2 =	sld [smem:$0x3FC7];
	(tm) =	ssettm $0x1  }
0x91: {  	s18 =	sld [smem:$0x3FFB];
	_ =	sdelay $0x3  }
0x92: {  	_ =	strace s18  }
0x93: {  	s3 =	sld [smem:$0x3FFC];
	_ =	sdelay $0x3  }
0x94: {  	_ =	strace s3  }
0x95: {  	s3 =	sld [smem:$0x3FFD];
	_ =	sdelay $0x3  }
0x96: {  	_ =	strace s3  }
0x97: {  	_ =	strace $0x8FFFFFFF  }
0x98: {  	s19 =	sld [smem:$0x3FDB];
	_ =	sdelay $0x1  }
0x99: {  	s4 =	simm.s32 $_scs_section_size  }
0x9a: {  	s5 =	simm.s32 $_size__tile_overlayer_lowered;
	s6 =	simm.s32 $_tile_overlayer_lowered  }
0x9b: {  	s22 =	simm.s32 $0x1BFF;
	s21 =	sshll.u32 s6, $0x1;
	s3 =	sadd.s32 s4, s19  }
0x9c: {  	s7 =	simm.s32 $0x0;
	s20 =	sshll.u32 s5, $0x1;
	s5 =	sadd.s32 s21, s3  }
0x9d: {  	[timem:s7], [sflag:s22] =	dma.local [hbm:s5], s20  }
0x9e: {  	_ =	swait.ge [sflag:s22], s20  }
0x9f: {  	s4 =	ssub.s32 $0x0, s20;
	[sflag:s22] =	ssyncset.done $0x0  }
0xa0: {  	[sflag:s22] =	ssyncadd.s32 s4;
	_ =	sdelay $0x1  }
0xa1: {  	s23 =	simm.s32 $0x1B8B  }
0xa2: {  	_ =	swait.ge [sflag:s23], $0x1  }
0xa3: {  	[sflag:s23] =	ssyncset.done $0x0  }
0xa4: {  	s25 =	simm.s32 $0x1B8E;
	s24 =	sld [smem:$0x3FFE];
	[sflag:s23] =	ssyncadd.s32 $0xFFFFFFFF  }
0xa5: {  	s26 =	simm.s32 $execute0_lowered;
	[smem:$0x3FD2] =	sst s25  }
0xa6: {  	s5 =	sshll.u32 s26, $0x1;
	_ =	strace $0x80000046;
	[dreg:$0x1] =	wrdreg $0xFFFFFFFF  }
0xa7: {  	s28 =	simm.s32 $_size_execute0_lowered;
	s3 =	sadd.s32 s3, s5;
	[dreg:$0x0] =	wrdreg $0x0  }
0xa8: {  	s5 =	sshll.u32 s28, $0x1;
	[dreg:$0x2] =	wrdreg s3  }
0xa9: {  	[dreg:$0x3] =	wrdreg s5  }
0xaa: {  	[dreg:$0x4] =	wrdreg $0xC0  }
0xab: {  	_ =	task [dreg:s7], $0x5FFFF  }
0xac: {  	[dreg:$0x1] =	wrdreg $0xFFFFFFFF  }
0xad: {  	[dreg:$0x0] =	wrdreg $0x60  }
0xae: {  	[dreg:$0x2] =	wrdreg s24  }
0xaf: {  	[dreg:$0x3] =	wrdreg s2  }
0xb0: {  	[dreg:$0x4] =	wrdreg $0x7A400  }
0xb1: {  	[dreg:$0x5] =	wrdreg $0x0  }
0xb2: {  	[dreg:$0x6] =	wrdreg $0x9  }
0xb3: {  	_ =	task.clear_ibuf [dreg:s7], $0x7FFFF;
	_ =	strace $0x90000046  }
0xb4: {  	s29 =	simm.s32 $0x9;
	_ =	strace $0x80000048  }
0xb5: {  	_ =	swait.ge [sflag:s29], $0x1  }
0xb6: {  	[sflag:s29] =	ssyncadd.s32 $0xFFFFFFFF  }
0xb7: {  	_ =	strace $0x90000048  }
0xb8: {  	_ =	sfence  }
0xb9: {  	s30 =	sld [smem:$0x0];
	_ =	sdelay $0x2  }
0xba: {  	s31 =	sshll.u32 s1, $0xD;
	s1 =	sshrl.u32 s1, $0x2  }
0xbb: {  	s3 =	sand.u32 $0x4000, s31;
	s1 =	sadd.s32 s1, s30  }
0xbc: {  	s0 =	sor.u32 s3, s0;
	s1 =	sshll.u32 s1, $0x11  }
0xbd: {  	s0 =	sor.u32 s1, s0  }
0xbe: {  	s0 =	sadd.s32 $0x8F2B, s0  }
0xbf: {  	[sflag:s0] =	ssyncadd.remote.s32 $0x1  }
0xc0: {  	_ =	sfence.sel $0xFFFF  }
0xc1: {  	[dreg:$0x0] =	wrdreg $0xFFFFFFFF;
	(pc) =	sbr.abs _section_cstart, $3  }
0xc2: {  	[dreg:$0x1] =	wrdreg $0xFFFFFFFF  }
0xc3: {  	_ =	task.clear_ibuf [dreg:s7], $0x2FFFF;
	_ =	strace $0x9FFFFFFF  }
0xc4: {  	(tm) =	ssettm $0x7FFFFFFF  }
0xc5: {  	_ =	shalt  }
tec
execute0_lowered:
.L_overlay_start_1:
0x0: {  	(tag) =	ssettag $0x1  }
0x1: {  	s0 =	rddreg [dreg:$0x0]  }
0x2: {  	s3 =	rddreg [dreg:$0x1]  }
0x3: {  	s1 =	rddreg [dreg:$0x2]  }
0x4: {  	s2 =	rddreg [dreg:$0x3]  }
0x5: {  	s4 =	srdreg.scid;
	s16 =	stileid.u32;
	s28 =	simm.s32 $0x2  }
0x6: {  	s29 =	simm.s32 $0x80;
	s30 =	simm.s32 $0x100;
	s10 =	smul.u32 $0x7A40, s16  }
0x7: {  	s31 =	simm.s32 $0xF480;
	s9 =	sand.u32 $0x1, s4;
	s19 =	smul.u32 $0x1E900, s16  }
0x8: {  	s4 =	simm.s32 $0x0;
	s11 =	sadd.s32 $0x20A00, s0;
	s16 =	smul.u32 $0x7A400, s16  }
0x9: {  	s5 =	ssub.s32 $0x2, s9;
	[smem:$0x7FF] =	sst s4;
	p0 =	seq.s32 s9, $0x0  }
0xa: {  	s9 =	smul.u32 $0x7A400, s9;
	s6 =	sshrl.u32 s5, $0x1;
	_ =	strace $0x80000047  }
0xb: {  	s14 =	sadd.s32 $0x1E90, s10;
	s15 =	sadd.s32 $0x3D20, s10;
	s17 =	sadd.s32 $0x5BB0, s10  }
0xc: {  	s20 =	sshrl.u32 s10, $0x3;
	s12 =	sadd.s32 s10, s2;
	s25 =	sshrl.u32 s16, $0x2  }
0xd: {  	s13 =	ssub.s32 s5, s6;
	s5 =	sadd.s32 s10, s1;
	s6 =	sadd.s32 s14, s1  }
0xe: {  	s7 =	sadd.s32 s15, s1;
	s8 =	sadd.s32 s17, s1;
	[dreg:$0x5] =	wrdreg s12  }
0xf: {  	s21 =	sshrl.u32 s14, $0x3;
	s18 =	sadd.s32 s14, s2;
	s22 =	sshrl.u32 s15, $0x3  }
0x10: {  	s10 =	sadd.s32 s10, s9;
	s12 =	sadd.s32 s3, s19;
	s14 =	sadd.s32 s9, s14  }
0x11: {  	s3 =	sadd.s32 s3, s25;
	s26 =	sshrl.u32 s17, $0x3;
	s25 =	simm.s32 $0x1  }
0x12: {  	[dreg:$0x6] =	wrdreg s18;
	s18 =	sadd.s32 s15, s2;
	s10 =	sshrl.u32 s10, $0x3  }
0x13: {  	s23 =	sshrl.u32 s14, $0x3;
	s15 =	sadd.s32 s9, s15;
	s9 =	sadd.s32 s9, s17  }
0x14: {  	s17 =	sadd.s32 s17, s2;
	s19 =	sadd.s32 $0x1D4B0, s3;
	s3 =	simm.s32 $0x5180  }
0x15: {  	[dreg:$0x7] =	wrdreg s18;
	s10 =	sadd.s32 s11, s10;
	s24 =	sshrl.u32 s15, $0x3  }
0x16: {  	s9 =	sshrl.u32 s9, $0x3;
	[dreg:$0x8] =	wrdreg s10;
	s10 =	sadd.s32 s11, s23  }
0x17: {  	s18 =	smax.u32 s13, $0x1;
	s9 =	sadd.s32 s11, s9;
	[dreg:$0x9] =	wrdreg s10  }
0x18: {  	s10 =	sadd.s32 s11, s24;
	[dreg:$0xb] =	wrdreg s9;
	s9 =	simm.s32 $0x1E00  }
0x19: {  	s24 =	simm.s32 $0x19780;
	[dreg:$0xa] =	wrdreg s10;
	s9 =	simm.s32 @!p0 $0x11400  }
0x1a: {  	s10 =	simm.s32 $0x0;
	s0 =	sadd.s32 s9, s0;
	s9 =	simm.s32 $0x3  }
0x1b: {  	s20 =	sadd.s32 s0, s20;
	s21 =	sadd.s32 s0, s21;
	s22 =	sadd.s32 s0, s22  }
0x1c: {  	v0 =	vimm.f32 $0.0e+00;
	s23 =	sadd.s32 s0, s26;
	s26 =	simm.s32 $0x1B610;
	s0 =	simm.s32 $0x14600  }
.LBB2_1:
0x1d: {  	s11 =	simm.s32 $0x40;
	s13 =	simm.s32 $0x0  }
.LBB2_2:
0x1e: {  	p0 =	sne.s32 s11, $0x7A00;
	[tilespmem:s13+$0x19780] =	vst v0;
	s13 =	smov.u32 s11;
	s11 =	sadd.s32 $0x40, s11  }
.Ltmp0:
0x1f: {  	(pc) =	sbr.rel @p0 .LBB2_2-.Ltmp0, $2  }
0x20: {  	_ =	sdelay $0x2  }
0x21: {  	s13 =	sshra.s32 s13, $0x2  }
0x22: {  	[tilespmem:s13+$0x19780] =	vst v0  }
0x23: {  	[spmem:s5] =	stream.linear.scatter [tilespmem:s24], [sflag:$0x1], $0x1E90, $0x38;
	[tilespmem:$0x1E900] =	vst v63  }
0x24: {  	_ = 	snop  }
0x25: {  	[spmem:s6] =	stream.linear.scatter [tilespmem:s24], [sflag:$0x1], $0x1E90, $0x38;
	[tilespmem:$0x1E900] =	vst v63  }
0x26: {  	_ = 	snop  }
0x27: {  	[spmem:s7] =	stream.linear.scatter [tilespmem:s24], [sflag:$0x1], $0x1E90, $0x38;
	[tilespmem:$0x1E900] =	vst v63  }
0x28: {  	_ = 	snop  }
0x29: {  	[spmem:s8] =	stream.linear.scatter [tilespmem:s24], [sflag:$0x1], $0x1E90, $0x38;
	[tilespmem:$0x1E900] =	vst v63  }
0x2a: {  	_ =	swait.ge [sflag:s25], $0x1E90  }
0x2b: {  	[sflag:s25] =	ssyncset.done $0x0  }
0x2c: {  	[sflag:s25] =	ssyncadd.s32 $0xFFFFE170  }
0x2d: {  	_ =	swait.ge [sflag:s25], $0x1E90  }
0x2e: {  	[sflag:s25] =	ssyncset.done $0x0  }
0x2f: {  	[sflag:s25] =	ssyncadd.s32 $0xFFFFE170  }
0x30: {  	_ =	swait.ge [sflag:s25], $0x1E90  }
0x31: {  	[sflag:s25] =	ssyncset.done $0x0  }
0x32: {  	[sflag:s25] =	ssyncadd.s32 $0xFFFFE170  }
0x33: {  	_ =	swait.ge [sflag:s25], $0x1E90  }
0x34: {  	[sflag:s25] =	ssyncset.done $0x0  }
0x35: {  	[sflag:s25] =	ssyncadd.s32 $0xFFFFE170  }
0x36: {  	[tilespmem:s24], [sflag:$0x1] =	stream.linear.gather [hbm4b:s20+s4], $0x1E90, $0x38;
	[tilespmem:$0x1E900] =	vst v63  }
0x37: {  	_ =	swait.ge [sflag:s25], $0x1E90  }
0x38: {  	[sflag:s25] =	ssyncset.done $0x0  }
0x39: {  	s11 =	rddreg [dreg:$0x5];
	[sflag:s25] =	ssyncadd.s32 $0xFFFFE170  }
0x3a: {  	[spmem:s11] =	stream.linear.scatter [tilespmem:s24], [sflag:$0x1], $0x1E90, $0x38;
	[tilespmem:$0x1E900] =	vst v63  }
0x3b: {  	_ = 	snop  }
0x3c: {  	[tilespmem:s26], [sflag:$0x2] =	stream.linear.gather [hbm4b:s21+s4], $0x1E90, $0x38;
	[tilespmem:$0x1E900] =	vst v63  }
0x3d: {  	_ =	swait.ge [sflag:s28], $0x1E90  }
0x3e: {  	[sflag:s28] =	ssyncset.done $0x0  }
0x3f: {  	s13 =	rddreg [dreg:$0x6];
	[sflag:s28] =	ssyncadd.s32 $0xFFFFE170  }
0x40: {  	[spmem:s13] =	stream.linear.scatter [tilespmem:s26], [sflag:$0x2], $0x1E90, $0x38;
	[tilespmem:$0x1E900] =	vst v63  }
0x41: {  	_ =	swait.ge [sflag:s25], $0x1E90  }
0x42: {  	[sflag:s25] =	ssyncset.done $0x0  }
0x43: {  	[sflag:s25] =	ssyncadd.s32 $0xFFFFE170  }
0x44: {  	[tilespmem:s24], [sflag:$0x1] =	stream.linear.gather [hbm4b:s22+s4], $0x1E90, $0x38;
	[tilespmem:$0x1E900] =	vst v63  }
0x45: {  	_ =	swait.ge [sflag:s25], $0x1E90  }
0x46: {  	[sflag:s25] =	ssyncset.done $0x0  }
0x47: {  	s14 =	rddreg [dreg:$0x7];
	[sflag:s25] =	ssyncadd.s32 $0xFFFFE170  }
0x48: {  	[spmem:s14] =	stream.linear.scatter [tilespmem:s24], [sflag:$0x1], $0x1E90, $0x38;
	[tilespmem:$0x1E900] =	vst v63  }
0x49: {  	_ =	swait.ge [sflag:s28], $0x1E90  }
0x4a: {  	[sflag:s28] =	ssyncset.done $0x0  }
0x4b: {  	[sflag:s28] =	ssyncadd.s32 $0xFFFFE170  }
0x4c: {  	[tilespmem:s26], [sflag:$0x2] =	stream.linear.gather [hbm4b:s23+s4], $0x1E90, $0x38;
	[tilespmem:$0x1E900] =	vst v63  }
0x4d: {  	_ =	swait.ge [sflag:s28], $0x1E90  }
0x4e: {  	[sflag:s28] =	ssyncset.done $0x0  }
0x4f: {  	[sflag:s28] =	ssyncadd.s32 $0xFFFFE170  }
0x50: {  	[spmem:s17] =	stream.linear.scatter [tilespmem:s26], [sflag:$0x2], $0x1E90, $0x38;
	[tilespmem:$0x1E900] =	vst v63  }
0x51: {  	_ =	swait.ge [sflag:s25], $0x1E90  }
0x52: {  	[sflag:s25] =	ssyncset.done $0x0  }
0x53: {  	[sflag:s25] =	ssyncadd.s32 $0xFFFFE170  }
0x54: {  	_ =	swait.ge [sflag:s28], $0x1E90  }
0x55: {  	[sflag:s28] =	ssyncset.done $0x0  }
0x56: {  	[sflag:s28] =	ssyncadd.s32 $0xFFFFE170  }
0x57: {  	s15 =	sadd.s32 $0xFFFE2B60, s12;
	[bflag:$0x0] =	sbarrier.arrive $0xFFFF  }
0x58: {  	[tilespmem:s31], [sflag:$0x1] =	stream.strided.gather [hbm4b:s12+s29], $0x5180, s30, s29, $0x38;
	[tilespmem:$0x1E900] =	vst v63  }
0x59: {  	s16 =	sadd.s32 $0x1D4B0, s15  }
0x5a: {  	[tilespmem:s0], [sflag:$0x2] =	stream.strided.gather [hbm4b:s16+s29], $0x5180, s30, s29, $0x38;
	[tilespmem:$0x1E900] =	vst v63  }
0x5b: {  	_ =	swait.ge [sflag:s25], $0x5180  }
0x5c: {  	[sflag:s25] =	ssyncset.done $0x0  }
0x5d: {  	[sflag:s25] =	ssyncadd.s32 $0xFFFFAE80  }
0x5e: {  	[tilespmem:s24], [sflag:$0x3] =	stream.indirect.gather [spmem:s2], $0x1, s31, s3, $0xb8;
	[tilespmem:$0x1E900] =	vst v63  }
0x5f: {  	_ =	swait.ge [sflag:s9], $0x5180  }
0x60: {  	[sflag:s9] =	ssyncset.done $0x0  }
0x61: {  	s11 =	sadd.s32 $0x1E900, s15;
	[sflag:s9] =	ssyncadd.s32 $0xFFFFAE80  }
0x62: {  	[tilespmem:s31], [sflag:$0x1] =	stream.strided.gather [hbm4b:s11+s29], $0x5180, s30, s29, $0x38;
	[tilespmem:$0x1E900] =	vst v63  }
0x63: {  	_ =	swait.ge [sflag:s28], $0x5180  }
0x64: {  	[sflag:s28] =	ssyncset.done $0x0  }
0x65: {  	[sflag:s28] =	ssyncadd.s32 $0xFFFFAE80  }
0x66: {  	[spmem:s1] =	stream.indirect.scatter.add.f32 [tilespmem:s24], [sflag:$0x3], $0x1, s0, s3, $0xb8;
	[tilespmem:$0x1E900] =	vst v63  }
0x67: {  	_ =	swait.ge [sflag:s9], $0x5180  }
0x68: {  	s13 =	simm.s32 $0xFFFE5420;
	s11 =	sadd.s32 $0xFFFE3FC0, s12;
	[sflag:s9] =	ssyncset.done $0x0  }
.LBB2_4:
0x69: {  	s14 =	sadd.s32 $0x1D4B0, s11  }
0x6a: {  	[sflag:s9] =	ssyncadd.s32 $0xFFFFAE80;
	s15 =	smov.u32 s13;
	s16 =	sadd.s32 $0x1460, s13  }
0x6b: {  	[tilespmem:s0], [sflag:$0x2] =	stream.strided.gather [hbm4b:s14+s29], $0x5180, s30, s29, $0x38;
	[tilespmem:$0x1E900] =	vst v63  }
0x6c: {  	p0 =	sne.s32 s13, $0xFFFFEBA0;
	_ =	swait.ge [sflag:s25], $0x5180  }
0x6d: {  	[sflag:s25] =	ssyncset.done $0x0  }
0x6e: {  	[sflag:s25] =	ssyncadd.s32 $0xFFFFAE80  }
0x6f: {  	[tilespmem:s24], [sflag:$0x3] =	stream.indirect.gather [spmem:s2], $0x1, s31, s3, $0xb8;
	[tilespmem:$0x1E900] =	vst v63  }
0x70: {  	_ =	swait.ge [sflag:s9], $0x5180  }
0x71: {  	[sflag:s9] =	ssyncset.done $0x0  }
0x72: {  	s11 =	sadd.s32 $0x1E900, s11;
	[sflag:s9] =	ssyncadd.s32 $0xFFFFAE80  }
0x73: {  	[tilespmem:s31], [sflag:$0x1] =	stream.strided.gather [hbm4b:s11+s29], $0x5180, s30, s29, $0x38;
	[tilespmem:$0x1E900] =	vst v63  }
0x74: {  	_ =	swait.ge [sflag:s28], $0x5180  }
.Ltmp1:
0x75: {  	[sflag:s28] =	ssyncset.done $0x0;
	(pc) =	sbr.rel @p0 .LBB2_4-.Ltmp1, $4  }
0x76: {  	[sflag:s28] =	ssyncadd.s32 $0xFFFFAE80  }
0x77: {  	[spmem:s1] =	stream.indirect.scatter.add.f32 [tilespmem:s24], [sflag:$0x3], $0x1, s0, s3, $0xb8;
	[tilespmem:$0x1E900] =	vst v63  }
0x78: {  	_ =	swait.ge [sflag:s9], $0x5180  }
0x79: {  	s13 =	smov.u32 s16;
	s11 =	sadd.s32 s15, s12;
	[sflag:s9] =	ssyncset.done $0x0  }
0x7a: {  	s13 =	sadd.s32 $0x1D4B0, s11;
	[sflag:s9] =	ssyncadd.s32 $0xFFFFAE80  }
0x7b: {  	[tilespmem:s0], [sflag:$0x2] =	stream.strided.gather [hbm4b:s13+s29], $0x5180, s30, s29, $0x38;
	[tilespmem:$0x1E900] =	vst v63  }
0x7c: {  	_ =	swait.ge [sflag:s25], $0x5180  }
0x7d: {  	[sflag:s25] =	ssyncset.done $0x0  }
0x7e: {  	[sflag:s25] =	ssyncadd.s32 $0xFFFFAE80  }
0x7f: {  	[tilespmem:s24], [sflag:$0x3] =	stream.indirect.gather [spmem:s2], $0x1, s31, s3, $0xb8;
	[tilespmem:$0x1E900] =	vst v63  }
0x80: {  	_ =	swait.ge [sflag:s9], $0x5180  }
0x81: {  	[sflag:s9] =	ssyncset.done $0x0  }
0x82: {  	s16 =	sadd.s32 $0x1E900, s11;
	[sflag:s9] =	ssyncadd.s32 $0xFFFFAE80  }
0x83: {  	[tilespmem:s31], [sflag:$0x1] =	stream.strided.gather [hbm4b:s16+s29], $0x5180, s30, s29, $0x38;
	[tilespmem:$0x1E900] =	vst v63  }
0x84: {  	_ =	swait.ge [sflag:s28], $0x5180  }
0x85: {  	[sflag:s28] =	ssyncset.done $0x0  }
0x86: {  	[sflag:s28] =	ssyncadd.s32 $0xFFFFAE80  }
0x87: {  	[spmem:s1] =	stream.indirect.scatter.add.f32 [tilespmem:s24], [sflag:$0x3], $0x1, s0, s3, $0xb8;
	[tilespmem:$0x1E900] =	vst v63  }
0x88: {  	_ =	swait.ge [sflag:s9], $0x5180  }
0x89: {  	[sflag:s9] =	ssyncset.done $0x0  }
0x8a: {  	[sflag:s9] =	ssyncadd.s32 $0xFFFFAE80  }
0x8b: {  	[tilespmem:s0], [sflag:$0x2] =	stream.strided.gather [hbm4b:s19+s29], $0x5180, s30, s29, $0x38;
	[tilespmem:$0x1E900] =	vst v63  }
0x8c: {  	_ =	swait.ge [sflag:s25], $0x5180  }
0x8d: {  	[sflag:s25] =	ssyncset.done $0x0  }
0x8e: {  	[sflag:s25] =	ssyncadd.s32 $0xFFFFAE80  }
0x8f: {  	[tilespmem:s24], [sflag:$0x3] =	stream.indirect.gather [spmem:s2], $0x1, s31, s3, $0xb8;
	[tilespmem:$0x1E900] =	vst v63  }
0x90: {  	_ =	swait.ge [sflag:s9], $0x5180  }
0x91: {  	[sflag:s9] =	ssyncset.done $0x0  }
0x92: {  	[sflag:s9] =	ssyncadd.s32 $0xFFFFAE80  }
0x93: {  	_ =	swait.ge [sflag:s28], $0x5180  }
0x94: {  	[sflag:s28] =	ssyncset.done $0x0  }
0x95: {  	[sflag:s28] =	ssyncadd.s32 $0xFFFFAE80  }
0x96: {  	[spmem:s1] =	stream.indirect.scatter.add.f32 [tilespmem:s24], [sflag:$0x3], $0x1, s0, s3, $0xb8;
	[tilespmem:$0x1E900] =	vst v63  }
0x97: {  	_ =	swait.ge [sflag:s9], $0x5180  }
0x98: {  	[sflag:s9] =	ssyncset.done $0x0  }
0x99: {  	[sflag:s9] =	ssyncadd.s32 $0xFFFFAE80  }
0x9a: {  	[bflag:$0x0] =	sbarrier.arrive $0xFFFF  }
0x9b: {  	[tilespmem:s24], [sflag:$0x1] =	stream.linear.gather [spmem:s5], $0x1E90, $0x38;
	[tilespmem:$0x1E900] =	vst v63  }
0x9c: {  	_ =	swait.ge [sflag:s25], $0x1E90  }
0x9d: {  	[sflag:s25] =	ssyncset.done $0x0  }
0x9e: {  	s13 =	rddreg [dreg:$0x8];
	[sflag:s25] =	ssyncadd.s32 $0xFFFFE170  }
0x9f: {  	[hbm4b:s13+s4] =	stream.linear.scatter [tilespmem:s24], [sflag:$0x1], $0x1E90, $0x38;
	[tilespmem:$0x1E900] =	vst v63  }
0xa0: {  	_ = 	snop  }
0xa1: {  	[tilespmem:s26], [sflag:$0x2] =	stream.linear.gather [spmem:s6], $0x1E90, $0x38;
	[tilespmem:$0x1E900] =	vst v63  }
0xa2: {  	_ =	swait.ge [sflag:s28], $0x1E90  }
0xa3: {  	[sflag:s28] =	ssyncset.done $0x0  }
0xa4: {  	s14 =	rddreg [dreg:$0x9];
	[sflag:s28] =	ssyncadd.s32 $0xFFFFE170  }
0xa5: {  	[hbm4b:s14+s4] =	stream.linear.scatter [tilespmem:s26], [sflag:$0x2], $0x1E90, $0x38;
	[tilespmem:$0x1E900] =	vst v63  }
0xa6: {  	_ =	swait.ge [sflag:s25], $0x1E90  }
0xa7: {  	[sflag:s25] =	ssyncset.done $0x0  }
0xa8: {  	[sflag:s25] =	ssyncadd.s32 $0xFFFFE170  }
0xa9: {  	[tilespmem:s24], [sflag:$0x1] =	stream.linear.gather [spmem:s7], $0x1E90, $0x38;
	[tilespmem:$0x1E900] =	vst v63  }
0xaa: {  	_ =	swait.ge [sflag:s25], $0x1E90  }
0xab: {  	[sflag:s25] =	ssyncset.done $0x0  }
0xac: {  	s15 =	rddreg [dreg:$0xa];
	[sflag:s25] =	ssyncadd.s32 $0xFFFFE170  }
0xad: {  	[hbm4b:s15+s4] =	stream.linear.scatter [tilespmem:s24], [sflag:$0x1], $0x1E90, $0x38;
	[tilespmem:$0x1E900] =	vst v63  }
0xae: {  	_ =	swait.ge [sflag:s28], $0x1E90  }
0xaf: {  	[sflag:s28] =	ssyncset.done $0x0  }
0xb0: {  	[sflag:s28] =	ssyncadd.s32 $0xFFFFE170  }
0xb1: {  	[tilespmem:s26], [sflag:$0x2] =	stream.linear.gather [spmem:s8], $0x1E90, $0x38;
	[tilespmem:$0x1E900] =	vst v63  }
0xb2: {  	_ =	swait.ge [sflag:s28], $0x1E90  }
0xb3: {  	[sflag:s28] =	ssyncset.done $0x0  }
0xb4: {  	s10 =	sadd.s32 $0x1, s10;
	s16 =	rddreg [dreg:$0xb];
	[sflag:s28] =	ssyncadd.s32 $0xFFFFE170  }
0xb5: {  	[hbm4b:s16+s4] =	stream.linear.scatter [tilespmem:s26], [sflag:$0x2], $0x1E90, $0x38;
	[tilespmem:$0x1E900] =	vst v63  }
0xb6: {  	p0 =	sne.s32 s10, s18;
	_ =	swait.ge [sflag:s25], $0x1E90  }
.Ltmp2:
0xb7: {  	[sflag:s25] =	ssyncset.done $0x0;
	(pc) =	sbr.rel @p0 .LBB2_1-.Ltmp2, $4  }
0xb8: {  	[sflag:s25] =	ssyncadd.s32 $0xFFFFE170  }
0xb9: {  	_ =	swait.ge [sflag:s28], $0x1E90  }
0xba: {  	[sflag:s28] =	ssyncset.done $0x0  }
0xbb: {  	[sflag:s28] =	ssyncadd.s32 $0xFFFFE170  }
0xbc: {  	_ =	sfence.sel $0x180000  }
0xbd: {  	[bflag:$0x0] =	sbarrier.arrive $0xFFFF  }
0xbe: {  	_ =	strace $0x90000047  }
0xbf: {  	s0 =	stileid.u32;
	[bflag:$0x2] =	sbarrier.arrive $0xFFFF  }
0xc0: {  	p0 =	sne.s32 s0, $0x0;
	s0 =	rddreg [dreg:$0x4]  }
0xc1: {  	s0 =	sadd.s32 @!p0 $0x100000, s0  }
0xc2: {  	[sflag:s0] =	ssyncadd.tile.s32 @!p0 $0x1;
	_ =	shalt  }
.Lfunc_end2:
_tile_overlayer_lowered:
.L_overlay_start_2:
0xc3: {  	(tag) =	ssettag $0x2  }
0xc4: {  	s0 =	rddreg [dreg:$0x0];
	s2 =	stileid.u32  }
0xc5: {  	s1 =	rddreg [dreg:$0x1];
	p0 =	sne.s32 s2, $0x0  }
0xc6: {  	s3 =	rddreg [dreg:$0x2];
	[bflag:$0x3] =	sbarrier.arrive $0xFFFF;
	s2 =	simm.s32 @!p0 $0x1C03  }
0xc7: {  	[timem:s3], [sflag:s2] =	dma.local @!p0 [hbm:s0], s1  }
0xc8: {  	s0 =	simm.s32 @!p0 $0x3  }
0xc9: {  	_ =	swait.ge @!p0 [sflag:s0], s1  }
0xca: {  	s1 =	ssub.s32 @!p0 $0x0, s1;
	[sflag:s0] =	ssyncset.done @!p0 $0x0  }
0xcb: {  	[sflag:s0] =	ssyncadd.s32 @!p0 s1  }
0xcc: {  	[bflag:$0x3] =	sbarrier.arrive $0xFFFF  }
0xcd: {  	_ =	shalt  }

</sc_bundles>
